<compile_context>
chip_gen: v7x
topology: tpu7x:2x2x1
jax: 0.10.2.dev20260603
libtpu: 0.0.44.dev20260713+nightly
codegen_flags: <defaults>
</compile_context>

<pallas_src>
import functools

import jax
import jax.numpy as jnp
from jax import lax
from jax.experimental import pallas as pl
from jax.experimental.pallas import tpu as pltpu
from jax.experimental.pallas import tpu_sc as plsc

NC, NS = 2, 16
NW = NC * NS
B = 1024 * 512
D = 128
V = 28
RPW = B // NW
L = 16
WIN = 64


def _sc_embed_body(x_hbm, table_hbm, out_hbm, idx_v, table_v, wsem):
    wid = lax.axis_index("s") * NC + lax.axis_index("c")
    pltpu.sync_copy(table_hbm, table_v)
    pltpu.sync_copy(x_hbm.at[wid], idx_v)
    base0 = wid * RPW

    def start_row(i, s):
        pltpu.async_copy(table_v.at[pl.ds(s, 1)], out_hbm.at[pl.ds(base0 + i, 1)], wsem)

    def drain_one():
        pltpu.make_async_copy(
            table_v.at[pl.ds(0, 1)], out_hbm.at[pl.ds(base0, 1)], wsem
        ).wait()

    def grp(g, carry):
        vec = idx_v[pl.ds(g * L, L)]

        @pl.when(g >= WIN // L)
        def _():
            for _ in range(L):
                drain_one()

        for l in range(L):
            start_row(g * L + l, vec[l])
        return carry

    lax.fori_loop(0, RPW // L, grp, 0)

    for _ in range(WIN):
        drain_one()


_sc_embed = functools.partial(
    pl.kernel,
    out_type=jax.ShapeDtypeStruct((B, D), jnp.float32),
    mesh=plsc.VectorSubcoreMesh(
        core_axis_name="c", subcore_axis_name="s", num_cores=NC, num_subcores=NS
    ),
    scratch_types=[
        pltpu.VMEM((RPW,), jnp.int32),
        pltpu.VMEM((V, D), jnp.float32),
        pltpu.SemaphoreType.DMA,
    ],
)(_sc_embed_body)


@jax.jit
def kernel(x, table):
    xw = x.astype(jnp.int32).reshape(NW, RPW)
    out = _sc_embed(xw, table)
    return out.reshape(1024, 512, 128)

# --- scband reference (transcript-rebuilt; emitter-appended) ---
"""Pipeline reference for scband-amino-acid-4758823764012 (READ-ONLY COPY).

The authoritative reference and input builder live on the scoring server;
editing this copy changes nothing except your own understanding.
"""

import jax, jax.numpy as jnp
import numpy as np


def setup_inputs(seed: int = 0) -> dict:
    key = jax.random.key(seed)
    k_idx, k_tab = jax.random.split(key)
    x = jax.random.randint(k_idx, (1024, 512), 0, 28, dtype=jnp.int64 if jax.config.jax_enable_x64 else jnp.int32)
    # nn.Embedding(28, hid_dim) weight, default init N(0,1)
    table = jax.random.normal(k_tab, (28, 128), dtype=jnp.float32)
    return {"x": x, "table": table}


def reference(x, table):
    # Faithful translation of nn.Embedding forward: row gather from the table
    return jnp.take(table, x, axis=0)

if __name__ == "__main__":
    import jax
    _d = setup_inputs()
    print(jax.jit(kernel)(*tuple(_d.values())))

</pallas_src>

<mosaic_0001>
#map = affine_map<(d0, d1) -> (0, 0)>
module attributes {stable_mosaic.version = 14 : i64} {
  func.func @_sc_embed_body(%arg0: i32, %arg1: i32, %arg2: memref<32x16384xi32, #tpu.memory_space<hbm>>, %arg3: memref<28x128xf32, #tpu.memory_space<hbm>>, %arg4: memref<524288x128xf32, #tpu.memory_space<hbm>>, %arg5: memref<16384xi32, #tpu.memory_space<vmem>>, %arg6: memref<28x128xf32, #tpu.memory_space<vmem>>, %arg7: memref<!tpu.dma_semaphore, #tpu.memory_space<semaphore_mem>>) attributes {dimension_semantics = [#tpu.dimension_semantics<core_parallel>, #tpu.dimension_semantics<subcore_parallel>], iteration_bounds = array<i64: 2, 16>, scalar_prefetch = 0 : i64, scratch_operands = 3 : i64, tpu.core_type = #tpu.core_type<sc_vector_subcore>, window_params = [{transform_indices = #map}, {transform_indices = #map}, {transform_indices = #map}]} {
    %mul3A = arith.constant 2 : i32
    %mul3A_0 = arith.muli %arg1, %mul3A : i32
    %add3A = arith.addi %mul3A_0, %arg0 : i32
    "tpu.region"() ({
      %run_scoped3A = tpu.sem_alloc : memref<!tpu.dma_semaphore, #tpu.memory_space<semaphore_mem>>
      tpu.enqueue_dma source(%arg3 : memref<28x128xf32, #tpu.memory_space<hbm>>) target(%arg6 : memref<28x128xf32, #tpu.memory_space<vmem>>) target_semaphore(%run_scoped3A : memref<!tpu.dma_semaphore, #tpu.memory_space<semaphore_mem>>)
      tpu.wait_dma2 semaphore(%run_scoped3A : memref<!tpu.dma_semaphore, #tpu.memory_space<semaphore_mem>>) src(%arg3 : memref<28x128xf32, #tpu.memory_space<hbm>>) dst(%arg6 : memref<28x128xf32, #tpu.memory_space<vmem>>)
      tpu.yield
    }) : () -> ()
    "tpu.region"() ({
      %run_scoped3A = tpu.sem_alloc : memref<!tpu.dma_semaphore, #tpu.memory_space<semaphore_mem>>
      %dma_start3A = arith.constant 0 : i32
      %dma_start3A_647 = tpu.memref_slice %arg2[%add3A, %dma_start3A] : memref<32x16384xi32, #tpu.memory_space<hbm>> -> memref<1x16384xi32, #tpu.memory_space<hbm>>
      %dma_start3A_648 = tpu.memref_squeeze %dma_start3A_647 : memref<1x16384xi32, #tpu.memory_space<hbm>> -> memref<16384xi32, #tpu.memory_space<hbm>>
      %dma_start3A_649 = arith.constant 0 : i32
      %dma_start3A_650 = tpu.memref_slice %arg2[%add3A, %dma_start3A_649] : memref<32x16384xi32, #tpu.memory_space<hbm>> -> memref<1x16384xi32, #tpu.memory_space<hbm>>
      %dma_start3A_651 = tpu.memref_squeeze %dma_start3A_650 : memref<1x16384xi32, #tpu.memory_space<hbm>> -> memref<16384xi32, #tpu.memory_space<hbm>>
      tpu.enqueue_dma source(%dma_start3A_651 : memref<16384xi32, #tpu.memory_space<hbm>>) target(%arg5 : memref<16384xi32, #tpu.memory_space<vmem>>) target_semaphore(%run_scoped3A : memref<!tpu.dma_semaphore, #tpu.memory_space<semaphore_mem>>)
      %dma_wait3A_652 = arith.constant 0 : i32
      %dma_wait3A_653 = tpu.memref_slice %arg2[%add3A, %dma_wait3A_652] : memref<32x16384xi32, #tpu.memory_space<hbm>> -> memref<1x16384xi32, #tpu.memory_space<hbm>>
      %dma_wait3A_654 = tpu.memref_squeeze %dma_wait3A_653 : memref<1x16384xi32, #tpu.memory_space<hbm>> -> memref<16384xi32, #tpu.memory_space<hbm>>
      %dma_wait3A_655 = arith.constant 0 : i32
      %dma_wait3A_656 = tpu.memref_slice %arg2[%add3A, %dma_wait3A_655] : memref<32x16384xi32, #tpu.memory_space<hbm>> -> memref<1x16384xi32, #tpu.memory_space<hbm>>
      %dma_wait3A_657 = tpu.memref_squeeze %dma_wait3A_656 : memref<1x16384xi32, #tpu.memory_space<hbm>> -> memref<16384xi32, #tpu.memory_space<hbm>>
      tpu.wait_dma2 semaphore(%run_scoped3A : memref<!tpu.dma_semaphore, #tpu.memory_space<semaphore_mem>>) src(%dma_wait3A_657 : memref<16384xi32, #tpu.memory_space<hbm>>) dst(%arg5 : memref<16384xi32, #tpu.memory_space<vmem>>)
      tpu.yield
    }) : () -> ()
    %mul3A_1 = arith.constant 16384 : i32
    %mul3A_2 = arith.muli %add3A, %mul3A_1 : i32
    %scan3A = arith.constant 0 : i32
    %scan3A_3 = arith.constant 0 : i32
    %scan3A_4 = arith.constant 1024 : i32
    %scan3A_5 = arith.addi %scan3A_3, %scan3A_4 : i32
    %scan3A_6 = arith.constant 1 : i32
    scf.for %scan3A_647 = %scan3A_3 to %scan3A_5 step %scan3A_6  : i32 {
      %mul3A_648 = arith.constant 16 : i32
      %mul3A_649 = arith.muli %scan3A_647, %mul3A_648 : i32
      %get3A = arith.index_cast %mul3A_649 : i32 to index
      %get3A_650 = tpu.vector_load %arg5[%get3A] {strides = array<i32>} : memref<16384xi32, #tpu.memory_space<vmem>>, vector<16xi32>,
      %get3A_651 = vector.shape_cast %get3A_650 : vector<16xi32> to vector<16xi32>
      %ge3A = arith.constant 4 : i32
      %ge3A_652 = arith.cmpi sge, %scan3A_647, %ge3A : i32
      %convert_element_type3A = arith.extui %ge3A_652 : i1 to i32
      %cond3A = arith.constant 0 : i32
      %cond3A_653 = arith.cmpi ne, %convert_element_type3A, %cond3A : i32
      scf.if %cond3A_653 {
        %dma_wait3A_891 = arith.constant 0 : i32
        %dma_wait3A_892 = arith.constant 0 : i32
        %dma_wait3A_893 = tpu.memref_slice %arg6[%dma_wait3A_891, %dma_wait3A_892] : memref<28x128xf32, #tpu.memory_space<vmem>> -> memref<1x128xf32, #tpu.memory_space<vmem>>
        %dma_wait3A_894 = arith.constant 0 : i32
        %dma_wait3A_895 = tpu.memref_slice %arg4[%mul3A_2, %dma_wait3A_894] : memref<524288x128xf32, #tpu.memory_space<hbm>> -> memref<1x128xf32, #tpu.memory_space<hbm>>
        %dma_wait3A_896 = arith.constant 0 : i32
        %dma_wait3A_897 = tpu.memref_slice %arg4[%mul3A_2, %dma_wait3A_896] : memref<524288x128xf32, #tpu.memory_space<hbm>> -> memref<1x128xf32, #tpu.memory_space<hbm>>
        %dma_wait3A_898 = arith.constant 0 : i32
        %dma_wait3A_899 = arith.constant 0 : i32
        %dma_wait3A_900 = tpu.memref_slice %arg6[%dma_wait3A_898, %dma_wait3A_899] : memref<28x128xf32, #tpu.memory_space<vmem>> -> memref<1x128xf32, #tpu.memory_space<vmem>>
        tpu.wait_dma2 semaphore(%arg7 : memref<!tpu.dma_semaphore, #tpu.memory_space<semaphore_mem>>) src(%dma_wait3A_900 : memref<1x128xf32, #tpu.memory_space<vmem>>) dst(%dma_wait3A_897 : memref<1x128xf32, #tpu.memory_space<hbm>>)
        %dma_wait3A_901 = arith.constant 0 : i32
        %dma_wait3A_902 = arith.constant 0 : i32
        %dma_wait3A_903 = tpu.memref_slice %arg6[%dma_wait3A_901, %dma_wait3A_902] : memref<28x128xf32, #tpu.memory_space<vmem>> -> memref<1x128xf32, #tpu.memory_space<vmem>>
        %dma_wait3A_904 = arith.constant 0 : i32
        %dma_wait3A_905 = tpu.memref_slice %arg4[%mul3A_2, %dma_wait3A_904] : memref<524288x128xf32, #tpu.memory_space<hbm>> -> memref<1x128xf32, #tpu.memory_space<hbm>>
        %dma_wait3A_906 = arith.constant 0 : i32
        %dma_wait3A_907 = tpu.memref_slice %arg4[%mul3A_2, %dma_wait3A_906] : memref<524288x128xf32, #tpu.memory_space<hbm>> -> memref<1x128xf32, #tpu.memory_space<hbm>>
        %dma_wait3A_908 = arith.constant 0 : i32
        %dma_wait3A_909 = arith.constant 0 : i32
        %dma_wait3A_910 = tpu.memref_slice %arg6[%dma_wait3A_908, %dma_wait3A_909] : memref<28x128xf32, #tpu.memory_space<vmem>> -> memref<1x128xf32, #tpu.memory_space<vmem>>
        tpu.wait_dma2 semaphore(%arg7 : memref<!tpu.dma_semaphore, #tpu.memory_space<semaphore_mem>>) src(%dma_wait3A_910 : memref<1x128xf32, #tpu.memory_space<vmem>>) dst(%dma_wait3A_907 : memref<1x128xf32, #tpu.memory_space<hbm>>)
        %dma_wait3A_911 = arith.constant 0 : i32
        %dma_wait3A_912 = arith.constant 0 : i32
        %dma_wait3A_913 = tpu.memref_slice %arg6[%dma_wait3A_911, %dma_wait3A_912] : memref<28x128xf32, #tpu.memory_space<vmem>> -> memref<1x128xf32, #tpu.memory_space<vmem>>
        %dma_wait3A_914 = arith.constant 0 : i32
        %dma_wait3A_915 = tpu.memref_slice %arg4[%mul3A_2, %dma_wait3A_914] : memref<524288x128xf32, #tpu.memory_space<hbm>> -> memref<1x128xf32, #tpu.memory_space<hbm>>
        %dma_wait3A_916 = arith.constant 0 : i32
        %dma_wait3A_917 = tpu.memref_slice %arg4[%mul3A_2, %dma_wait3A_916] : memref<524288x128xf32, #tpu.memory_space<hbm>> -> memref<1x128xf32, #tpu.memory_space<hbm>>
        %dma_wait3A_918 = arith.constant 0 : i32
        %dma_wait3A_919 = arith.constant 0 : i32
        %dma_wait3A_920 = tpu.memref_slice %arg6[%dma_wait3A_918, %dma_wait3A_919] : memref<28x128xf32, #tpu.memory_space<vmem>> -> memref<1x128xf32, #tpu.memory_space<vmem>>
        tpu.wait_dma2 semaphore(%arg7 : memref<!tpu.dma_semaphore, #tpu.memory_space<semaphore_mem>>) src(%dma_wait3A_920 : memref<1x128xf32, #tpu.memory_space<vmem>>) dst(%dma_wait3A_917 : memref<1x128xf32, #tpu.memory_space<hbm>>)
        %dma_wait3A_921 = arith.constant 0 : i32
        %dma_wait3A_922 = arith.constant 0 : i32
        %dma_wait3A_923 = tpu.memref_slice %arg6[%dma_wait3A_921, %dma_wait3A_922] : memref<28x128xf32, #tpu.memory_space<vmem>> -> memref<1x128xf32, #tpu.memory_space<vmem>>
        %dma_wait3A_924 = arith.constant 0 : i32
        %dma_wait3A_925 = tpu.memref_slice %arg4[%mul3A_2, %dma_wait3A_924] : memref<524288x128xf32, #tpu.memory_space<hbm>> -> memref<1x128xf32, #tpu.memory_space<hbm>>
        %dma_wait3A_926 = arith.constant 0 : i32
        %dma_wait3A_927 = tpu.memref_slice %arg4[%mul3A_2, %dma_wait3A_926] : memref<524288x128xf32, #tpu.memory_space<hbm>> -> memref<1x128xf32, #tpu.memory_space<hbm>>
        %dma_wait3A_928 = arith.constant 0 : i32
        %dma_wait3A_929 = arith.constant 0 : i32
        %dma_wait3A_930 = tpu.memref_slice %arg6[%dma_wait3A_928, %dma_wait3A_929] : memref<28x128xf32, #tpu.memory_space<vmem>> -> memref<1x128xf32, #tpu.memory_space<vmem>>
        tpu.wait_dma2 semaphore(%arg7 : memref<!tpu.dma_semaphore, #tpu.memory_space<semaphore_mem>>) src(%dma_wait3A_930 : memref<1x128xf32, #tpu.memory_space<vmem>>) dst(%dma_wait3A_927 : memref<1x128xf32, #tpu.memory_space<hbm>>)
        %dma_wait3A_931 = arith.constant 0 : i32
        %dma_wait3A_932 = arith.constant 0 : i32
        %dma_wait3A_933 = tpu.memref_slice %arg6[%dma_wait3A_931, %dma_wait3A_932] : memref<28x128xf32, #tpu.memory_space<vmem>> -> memref<1x128xf32, #tpu.memory_space<vmem>>
        %dma_wait3A_934 = arith.constant 0 : i32
        %dma_wait3A_935 = tpu.memref_slice %arg4[%mul3A_2, %dma_wait3A_934] : memref<524288x128xf32, #tpu.memory_space<hbm>> -> memref<1x128xf32, #tpu.memory_space<hbm>>
        %dma_wait3A_936 = arith.constant 0 : i32
        %dma_wait3A_937 = tpu.memref_slice %arg4[%mul3A_2, %dma_wait3A_936] : memref<524288x128xf32, #tpu.memory_space<hbm>> -> memref<1x128xf32, #tpu.memory_space<hbm>>
        %dma_wait3A_938 = arith.constant 0 : i32
        %dma_wait3A_939 = arith.constant 0 : i32
        %dma_wait3A_940 = tpu.memref_slice %arg6[%dma_wait3A_938, %dma_wait3A_939] : memref<28x128xf32, #tpu.memory_space<vmem>> -> memref<1x128xf32, #tpu.memory_space<vmem>>
        tpu.wait_dma2 semaphore(%arg7 : memref<!tpu.dma_semaphore, #tpu.memory_space<semaphore_mem>>) src(%dma_wait3A_940 : memref<1x128xf32, #tpu.memory_space<vmem>>) dst(%dma_wait3A_937 : memref<1x128xf32, #tpu.memory_space<hbm>>)
        %dma_wait3A_941 = arith.constant 0 : i32
        %dma_wait3A_942 = arith.constant 0 : i32
        %dma_wait3A_943 = tpu.memref_slice %arg6[%dma_wait3A_941, %dma_wait3A_942] : memref<28x128xf32, #tpu.memory_space<vmem>> -> memref<1x128xf32, #tpu.memory_space<vmem>>
        %dma_wait3A_944 = arith.constant 0 : i32
        %dma_wait3A_945 = tpu.memref_slice %arg4[%mul3A_2, %dma_wait3A_944] : memref<524288x128xf32, #tpu.memory_space<hbm>> -> memref<1x128xf32, #tpu.memory_space<hbm>>
        %dma_wait3A_946 = arith.constant 0 : i32
        %dma_wait3A_947 = tpu.memref_slice %arg4[%mul3A_2, %dma_wait3A_946] : memref<524288x128xf32, #tpu.memory_space<hbm>> -> memref<1x128xf32, #tpu.memory_space<hbm>>
        %dma_wait3A_948 = arith.constant 0 : i32
        %dma_wait3A_949 = arith.constant 0 : i32
        %dma_wait3A_950 = tpu.memref_slice %arg6[%dma_wait3A_948, %dma_wait3A_949] : memref<28x128xf32, #tpu.memory_space<vmem>> -> memref<1x128xf32, #tpu.memory_space<vmem>>
        tpu.wait_dma2 semaphore(%arg7 : memref<!tpu.dma_semaphore, #tpu.memory_space<semaphore_mem>>) src(%dma_wait3A_950 : memref<1x128xf32, #tpu.memory_space<vmem>>) dst(%dma_wait3A_947 : memref<1x128xf32, #tpu.memory_space<hbm>>)
        %dma_wait3A_951 = arith.constant 0 : i32
        %dma_wait3A_952 = arith.constant 0 : i32
        %dma_wait3A_953 = tpu.memref_slice %arg6[%dma_wait3A_951, %dma_wait3A_952] : memref<28x128xf32, #tpu.memory_space<vmem>> -> memref<1x128xf32, #tpu.memory_space<vmem>>
        %dma_wait3A_954 = arith.constant 0 : i32
        %dma_wait3A_955 = tpu.memref_slice %arg4[%mul3A_2, %dma_wait3A_954] : memref<524288x128xf32, #tpu.memory_space<hbm>> -> memref<1x128xf32, #tpu.memory_space<hbm>>
        %dma_wait3A_956 = arith.constant 0 : i32
        %dma_wait3A_957 = tpu.memref_slice %arg4[%mul3A_2, %dma_wait3A_956] : memref<524288x128xf32, #tpu.memory_space<hbm>> -> memref<1x128xf32, #tpu.memory_space<hbm>>
        %dma_wait3A_958 = arith.constant 0 : i32
        %dma_wait3A_959 = arith.constant 0 : i32
        %dma_wait3A_960 = tpu.memref_slice %arg6[%dma_wait3A_958, %dma_wait3A_959] : memref<28x128xf32, #tpu.memory_space<vmem>> -> memref<1x128xf32, #tpu.memory_space<vmem>>
        tpu.wait_dma2 semaphore(%arg7 : memref<!tpu.dma_semaphore, #tpu.memory_space<semaphore_mem>>) src(%dma_wait3A_960 : memref<1x128xf32, #tpu.memory_space<vmem>>) dst(%dma_wait3A_957 : memref<1x128xf32, #tpu.memory_space<hbm>>)
        %dma_wait3A_961 = arith.constant 0 : i32
        %dma_wait3A_962 = arith.constant 0 : i32
        %dma_wait3A_963 = tpu.memref_slice %arg6[%dma_wait3A_961, %dma_wait3A_962] : memref<28x128xf32, #tpu.memory_space<vmem>> -> memref<1x128xf32, #tpu.memory_space<vmem>>
        %dma_wait3A_964 = arith.constant 0 : i32
        %dma_wait3A_965 = tpu.memref_slice %arg4[%mul3A_2, %dma_wait3A_964] : memref<524288x128xf32, #tpu.memory_space<hbm>> -> memref<1x128xf32, #tpu.memory_space<hbm>>
        %dma_wait3A_966 = arith.constant 0 : i32
        %dma_wait3A_967 = tpu.memref_slice %arg4[%mul3A_2, %dma_wait3A_966] : memref<524288x128xf32, #tpu.memory_space<hbm>> -> memref<1x128xf32, #tpu.memory_space<hbm>>
        %dma_wait3A_968 = arith.constant 0 : i32
        %dma_wait3A_969 = arith.constant 0 : i32
        %dma_wait3A_970 = tpu.memref_slice %arg6[%dma_wait3A_968, %dma_wait3A_969] : memref<28x128xf32, #tpu.memory_space<vmem>> -> memref<1x128xf32, #tpu.memory_space<vmem>>
        tpu.wait_dma2 semaphore(%arg7 : memref<!tpu.dma_semaphore, #tpu.memory_space<semaphore_mem>>) src(%dma_wait3A_970 : memref<1x128xf32, #tpu.memory_space<vmem>>) dst(%dma_wait3A_967 : memref<1x128xf32, #tpu.memory_space<hbm>>)
        %dma_wait3A_971 = arith.constant 0 : i32
        %dma_wait3A_972 = arith.constant 0 : i32
        %dma_wait3A_973 = tpu.memref_slice %arg6[%dma_wait3A_971, %dma_wait3A_972] : memref<28x128xf32, #tpu.memory_space<vmem>> -> memref<1x128xf32, #tpu.memory_space<vmem>>
        %dma_wait3A_974 = arith.constant 0 : i32
        %dma_wait3A_975 = tpu.memref_slice %arg4[%mul3A_2, %dma_wait3A_974] : memref<524288x128xf32, #tpu.memory_space<hbm>> -> memref<1x128xf32, #tpu.memory_space<hbm>>
        %dma_wait3A_976 = arith.constant 0 : i32
        %dma_wait3A_977 = tpu.memref_slice %arg4[%mul3A_2, %dma_wait3A_976] : memref<524288x128xf32, #tpu.memory_space<hbm>> -> memref<1x128xf32, #tpu.memory_space<hbm>>
        %dma_wait3A_978 = arith.constant 0 : i32
        %dma_wait3A_979 = arith.constant 0 : i32
        %dma_wait3A_980 = tpu.memref_slice %arg6[%dma_wait3A_978, %dma_wait3A_979] : memref<28x128xf32, #tpu.memory_space<vmem>> -> memref<1x128xf32, #tpu.memory_space<vmem>>
        tpu.wait_dma2 semaphore(%arg7 : memref<!tpu.dma_semaphore, #tpu.memory_space<semaphore_mem>>) src(%dma_wait3A_980 : memref<1x128xf32, #tpu.memory_space<vmem>>) dst(%dma_wait3A_977 : memref<1x128xf32, #tpu.memory_space<hbm>>)
        %dma_wait3A_981 = arith.constant 0 : i32
        %dma_wait3A_982 = arith.constant 0 : i32
        %dma_wait3A_983 = tpu.memref_slice %arg6[%dma_wait3A_981, %dma_wait3A_982] : memref<28x128xf32, #tpu.memory_space<vmem>> -> memref<1x128xf32, #tpu.memory_space<vmem>>
        %dma_wait3A_984 = arith.constant 0 : i32
        %dma_wait3A_985 = tpu.memref_slice %arg4[%mul3A_2, %dma_wait3A_984] : memref<524288x128xf32, #tpu.memory_space<hbm>> -> memref<1x128xf32, #tpu.memory_space<hbm>>
        %dma_wait3A_986 = arith.constant 0 : i32
        %dma_wait3A_987 = tpu.memref_slice %arg4[%mul3A_2, %dma_wait3A_986] : memref<524288x128xf32, #tpu.memory_space<hbm>> -> memref<1x128xf32, #tpu.memory_space<hbm>>
        %dma_wait3A_988 = arith.constant 0 : i32
        %dma_wait3A_989 = arith.constant 0 : i32
        %dma_wait3A_990 = tpu.memref_slice %arg6[%dma_wait3A_988, %dma_wait3A_989] : memref<28x128xf32, #tpu.memory_space<vmem>> -> memref<1x128xf32, #tpu.memory_space<vmem>>
        tpu.wait_dma2 semaphore(%arg7 : memref<!tpu.dma_semaphore, #tpu.memory_space<semaphore_mem>>) src(%dma_wait3A_990 : memref<1x128xf32, #tpu.memory_space<vmem>>) dst(%dma_wait3A_987 : memref<1x128xf32, #tpu.memory_space<hbm>>)
        %dma_wait3A_991 = arith.constant 0 : i32
        %dma_wait3A_992 = arith.constant 0 : i32
        %dma_wait3A_993 = tpu.memref_slice %arg6[%dma_wait3A_991, %dma_wait3A_992] : memref<28x128xf32, #tpu.memory_space<vmem>> -> memref<1x128xf32, #tpu.memory_space<vmem>>
        %dma_wait3A_994 = arith.constant 0 : i32
        %dma_wait3A_995 = tpu.memref_slice %arg4[%mul3A_2, %dma_wait3A_994] : memref<524288x128xf32, #tpu.memory_space<hbm>> -> memref<1x128xf32, #tpu.memory_space<hbm>>
        %dma_wait3A_996 = arith.constant 0 : i32
        %dma_wait3A_997 = tpu.memref_slice %arg4[%mul3A_2, %dma_wait3A_996] : memref<524288x128xf32, #tpu.memory_space<hbm>> -> memref<1x128xf32, #tpu.memory_space<hbm>>
        %dma_wait3A_998 = arith.constant 0 : i32
        %dma_wait3A_999 = arith.constant 0 : i32
        %dma_wait3A_1000 = tpu.memref_slice %arg6[%dma_wait3A_998, %dma_wait3A_999] : memref<28x128xf32, #tpu.memory_space<vmem>> -> memref<1x128xf32, #tpu.memory_space<vmem>>
        tpu.wait_dma2 semaphore(%arg7 : memref<!tpu.dma_semaphore, #tpu.memory_space<semaphore_mem>>) src(%dma_wait3A_1000 : memref<1x128xf32, #tpu.memory_space<vmem>>) dst(%dma_wait3A_997 : memref<1x128xf32, #tpu.memory_space<hbm>>)
        %dma_wait3A_1001 = arith.constant 0 : i32
        %dma_wait3A_1002 = arith.constant 0 : i32
        %dma_wait3A_1003 = tpu.memref_slice %arg6[%dma_wait3A_1001, %dma_wait3A_1002] : memref<28x128xf32, #tpu.memory_space<vmem>> -> memref<1x128xf32, #tpu.memory_space<vmem>>
        %dma_wait3A_1004 = arith.constant 0 : i32
        %dma_wait3A_1005 = tpu.memref_slice %arg4[%mul3A_2, %dma_wait3A_1004] : memref<524288x128xf32, #tpu.memory_space<hbm>> -> memref<1x128xf32, #tpu.memory_space<hbm>>
        %dma_wait3A_1006 = arith.constant 0 : i32
        %dma_wait3A_1007 = tpu.memref_slice %arg4[%mul3A_2, %dma_wait3A_1006] : memref<524288x128xf32, #tpu.memory_space<hbm>> -> memref<1x128xf32, #tpu.memory_space<hbm>>
        %dma_wait3A_1008 = arith.constant 0 : i32
        %dma_wait3A_1009 = arith.constant 0 : i32
        %dma_wait3A_1010 = tpu.memref_slice %arg6[%dma_wait3A_1008, %dma_wait3A_1009] : memref<28x128xf32, #tpu.memory_space<vmem>> -> memref<1x128xf32, #tpu.memory_space<vmem>>
        tpu.wait_dma2 semaphore(%arg7 : memref<!tpu.dma_semaphore, #tpu.memory_space<semaphore_mem>>) src(%dma_wait3A_1010 : memref<1x128xf32, #tpu.memory_space<vmem>>) dst(%dma_wait3A_1007 : memref<1x128xf32, #tpu.memory_space<hbm>>)
        %dma_wait3A_1011 = arith.constant 0 : i32
        %dma_wait3A_1012 = arith.constant 0 : i32
        %dma_wait3A_1013 = tpu.memref_slice %arg6[%dma_wait3A_1011, %dma_wait3A_1012] : memref<28x128xf32, #tpu.memory_space<vmem>> -> memref<1x128xf32, #tpu.memory_space<vmem>>
        %dma_wait3A_1014 = arith.constant 0 : i32
        %dma_wait3A_1015 = tpu.memref_slice %arg4[%mul3A_2, %dma_wait3A_1014] : memref<524288x128xf32, #tpu.memory_space<hbm>> -> memref<1x128xf32, #tpu.memory_space<hbm>>
        %dma_wait3A_1016 = arith.constant 0 : i32
        %dma_wait3A_1017 = tpu.memref_slice %arg4[%mul3A_2, %dma_wait3A_1016] : memref<524288x128xf32, #tpu.memory_space<hbm>> -> memref<1x128xf32, #tpu.memory_space<hbm>>
        %dma_wait3A_1018 = arith.constant 0 : i32
        %dma_wait3A_1019 = arith.constant 0 : i32
        %dma_wait3A_1020 = tpu.memref_slice %arg6[%dma_wait3A_1018, %dma_wait3A_1019] : memref<28x128xf32, #tpu.memory_space<vmem>> -> memref<1x128xf32, #tpu.memory_space<vmem>>
        tpu.wait_dma2 semaphore(%arg7 : memref<!tpu.dma_semaphore, #tpu.memory_space<semaphore_mem>>) src(%dma_wait3A_1020 : memref<1x128xf32, #tpu.memory_space<vmem>>) dst(%dma_wait3A_1017 : memref<1x128xf32, #tpu.memory_space<hbm>>)
        %dma_wait3A_1021 = arith.constant 0 : i32
        %dma_wait3A_1022 = arith.constant 0 : i32
        %dma_wait3A_1023 = tpu.memref_slice %arg6[%dma_wait3A_1021, %dma_wait3A_1022] : memref<28x128xf32, #tpu.memory_space<vmem>> -> memref<1x128xf32, #tpu.memory_space<vmem>>
        %dma_wait3A_1024 = arith.constant 0 : i32
        %dma_wait3A_1025 = tpu.memref_slice %arg4[%mul3A_2, %dma_wait3A_1024] : memref<524288x128xf32, #tpu.memory_space<hbm>> -> memref<1x128xf32, #tpu.memory_space<hbm>>
        %dma_wait3A_1026 = arith.constant 0 : i32
        %dma_wait3A_1027 = tpu.memref_slice %arg4[%mul3A_2, %dma_wait3A_1026] : memref<524288x128xf32, #tpu.memory_space<hbm>> -> memref<1x128xf32, #tpu.memory_space<hbm>>
        %dma_wait3A_1028 = arith.constant 0 : i32
        %dma_wait3A_1029 = arith.constant 0 : i32
        %dma_wait3A_1030 = tpu.memref_slice %arg6[%dma_wait3A_1028, %dma_wait3A_1029] : memref<28x128xf32, #tpu.memory_space<vmem>> -> memref<1x128xf32, #tpu.memory_space<vmem>>
        tpu.wait_dma2 semaphore(%arg7 : memref<!tpu.dma_semaphore, #tpu.memory_space<semaphore_mem>>) src(%dma_wait3A_1030 : memref<1x128xf32, #tpu.memory_space<vmem>>) dst(%dma_wait3A_1027 : memref<1x128xf32, #tpu.memory_space<hbm>>)
        %dma_wait3A_1031 = arith.constant 0 : i32
        %dma_wait3A_1032 = arith.constant 0 : i32
        %dma_wait3A_1033 = tpu.memref_slice %arg6[%dma_wait3A_1031, %dma_wait3A_1032] : memref<28x128xf32, #tpu.memory_space<vmem>> -> memref<1x128xf32, #tpu.memory_space<vmem>>
        %dma_wait3A_1034 = arith.constant 0 : i32
        %dma_wait3A_1035 = tpu.memref_slice %arg4[%mul3A_2, %dma_wait3A_1034] : memref<524288x128xf32, #tpu.memory_space<hbm>> -> memref<1x128xf32, #tpu.memory_space<hbm>>
        %dma_wait3A_1036 = arith.constant 0 : i32
        %dma_wait3A_1037 = tpu.memref_slice %arg4[%mul3A_2, %dma_wait3A_1036] : memref<524288x128xf32, #tpu.memory_space<hbm>> -> memref<1x128xf32, #tpu.memory_space<hbm>>
        %dma_wait3A_1038 = arith.constant 0 : i32
        %dma_wait3A_1039 = arith.constant 0 : i32
        %dma_wait3A_1040 = tpu.memref_slice %arg6[%dma_wait3A_1038, %dma_wait3A_1039] : memref<28x128xf32, #tpu.memory_space<vmem>> -> memref<1x128xf32, #tpu.memory_space<vmem>>
        tpu.wait_dma2 semaphore(%arg7 : memref<!tpu.dma_semaphore, #tpu.memory_space<semaphore_mem>>) src(%dma_wait3A_1040 : memref<1x128xf32, #tpu.memory_space<vmem>>) dst(%dma_wait3A_1037 : memref<1x128xf32, #tpu.memory_space<hbm>>)
        %dma_wait3A_1041 = arith.constant 0 : i32
        %dma_wait3A_1042 = arith.constant 0 : i32
        %dma_wait3A_1043 = tpu.memref_slice %arg6[%dma_wait3A_1041, %dma_wait3A_1042] : memref<28x128xf32, #tpu.memory_space<vmem>> -> memref<1x128xf32, #tpu.memory_space<vmem>>
        %dma_wait3A_1044 = arith.constant 0 : i32
        %dma_wait3A_1045 = tpu.memref_slice %arg4[%mul3A_2, %dma_wait3A_1044] : memref<524288x128xf32, #tpu.memory_space<hbm>> -> memref<1x128xf32, #tpu.memory_space<hbm>>
        %dma_wait3A_1046 = arith.constant 0 : i32
        %dma_wait3A_1047 = tpu.memref_slice %arg4[%mul3A_2, %dma_wait3A_1046] : memref<524288x128xf32, #tpu.memory_space<hbm>> -> memref<1x128xf32, #tpu.memory_space<hbm>>
        %dma_wait3A_1048 = arith.constant 0 : i32
        %dma_wait3A_1049 = arith.constant 0 : i32
        %dma_wait3A_1050 = tpu.memref_slice %arg6[%dma_wait3A_1048, %dma_wait3A_1049] : memref<28x128xf32, #tpu.memory_space<vmem>> -> memref<1x128xf32, #tpu.memory_space<vmem>>
        tpu.wait_dma2 semaphore(%arg7 : memref<!tpu.dma_semaphore, #tpu.memory_space<semaphore_mem>>) src(%dma_wait3A_1050 : memref<1x128xf32, #tpu.memory_space<vmem>>) dst(%dma_wait3A_1047 : memref<1x128xf32, #tpu.memory_space<hbm>>)
      } else {
      }
      %mul3A_654 = arith.constant 16 : i32
      %mul3A_655 = arith.muli %scan3A_647, %mul3A_654 : i32
      %add3A_656 = arith.constant 0 : i32
      %add3A_657 = arith.addi %mul3A_655, %add3A_656 : i32
      %slice3A = vector.extract_strided_slice %get3A_651 {offsets = [0], sizes = [1], strides = [1]} : vector<16xi32> to vector<1xi32>
      %squeeze3A = vector.extract %slice3A[0] : i32 from vector<1xi32>
      %add3A_658 = arith.addi %mul3A_2, %add3A_657 : i32
      %dma_start3A = arith.constant 0 : i32
      %dma_start3A_659 = tpu.memref_slice %arg6[%squeeze3A, %dma_start3A] : memref<28x128xf32, #tpu.memory_space<vmem>> -> memref<1x128xf32, #tpu.memory_space<vmem>>
      %dma_start3A_660 = arith.constant 0 : i32
      %dma_start3A_661 = tpu.memref_slice %arg4[%add3A_658, %dma_start3A_660] : memref<524288x128xf32, #tpu.memory_space<hbm>> -> memref<1x128xf32, #tpu.memory_space<hbm>>
      %dma_start3A_662 = arith.constant 0 : i32
      %dma_start3A_663 = tpu.memref_slice %arg4[%add3A_658, %dma_start3A_662] : memref<524288x128xf32, #tpu.memory_space<hbm>> -> memref<1x128xf32, #tpu.memory_space<hbm>>
      %dma_start3A_664 = arith.constant 0 : i32
      %dma_start3A_665 = tpu.memref_slice %arg6[%squeeze3A, %dma_start3A_664] : memref<28x128xf32, #tpu.memory_space<vmem>> -> memref<1x128xf32, #tpu.memory_space<vmem>>
      tpu.enqueue_dma source(%dma_start3A_665 : memref<1x128xf32, #tpu.memory_space<vmem>>) target(%dma_start3A_663 : memref<1x128xf32, #tpu.memory_space<hbm>>) target_semaphore(%arg7 : memref<!tpu.dma_semaphore, #tpu.memory_space<semaphore_mem>>)
      %mul3A_666 = arith.constant 16 : i32
      %mul3A_667 = arith.muli %scan3A_647, %mul3A_666 : i32
      %add3A_668 = arith.constant 1 : i32
      %add3A_669 = arith.addi %mul3A_667, %add3A_668 : i32
      %slice3A_670 = vector.extract_strided_slice %get3A_651 {offsets = [1], sizes = [1], strides = [1]} : vector<16xi32> to vector<1xi32>
      %squeeze3A_671 = vector.extract %slice3A_670[0] : i32 from vector<1xi32>
      %add3A_672 = arith.addi %mul3A_2, %add3A_669 : i32
      %dma_start3A_673 = arith.constant 0 : i32
      %dma_start3A_674 = tpu.memref_slice %arg6[%squeeze3A_671, %dma_start3A_673] : memref<28x128xf32, #tpu.memory_space<vmem>> -> memref<1x128xf32, #tpu.memory_space<vmem>>
      %dma_start3A_675 = arith.constant 0 : i32
      %dma_start3A_676 = tpu.memref_slice %arg4[%add3A_672, %dma_start3A_675] : memref<524288x128xf32, #tpu.memory_space<hbm>> -> memref<1x128xf32, #tpu.memory_space<hbm>>
      %dma_start3A_677 = arith.constant 0 : i32
      %dma_start3A_678 = tpu.memref_slice %arg4[%add3A_672, %dma_start3A_677] : memref<524288x128xf32, #tpu.memory_space<hbm>> -> memref<1x128xf32, #tpu.memory_space<hbm>>
      %dma_start3A_679 = arith.constant 0 : i32
      %dma_start3A_680 = tpu.memref_slice %arg6[%squeeze3A_671, %dma_start3A_679] : memref<28x128xf32, #tpu.memory_space<vmem>> -> memref<1x128xf32, #tpu.memory_space<vmem>>
      tpu.enqueue_dma source(%dma_start3A_680 : memref<1x128xf32, #tpu.memory_space<vmem>>) target(%dma_start3A_678 : memref<1x128xf32, #tpu.memory_space<hbm>>) target_semaphore(%arg7 : memref<!tpu.dma_semaphore, #tpu.memory_space<semaphore_mem>>)
      %mul3A_681 = arith.constant 16 : i32
      %mul3A_682 = arith.muli %scan3A_647, %mul3A_681 : i32
      %add3A_683 = arith.constant 2 : i32
      %add3A_684 = arith.addi %mul3A_682, %add3A_683 : i32
      %slice3A_685 = vector.extract_strided_slice %get3A_651 {offsets = [2], sizes = [1], strides = [1]} : vector<16xi32> to vector<1xi32>
      %squeeze3A_686 = vector.extract %slice3A_685[0] : i32 from vector<1xi32>
      %add3A_687 = arith.addi %mul3A_2, %add3A_684 : i32
      %dma_start3A_688 = arith.constant 0 : i32
      %dma_start3A_689 = tpu.memref_slice %arg6[%squeeze3A_686, %dma_start3A_688] : memref<28x128xf32, #tpu.memory_space<vmem>> -> memref<1x128xf32, #tpu.memory_space<vmem>>
      %dma_start3A_690 = arith.constant 0 : i32
      %dma_start3A_691 = tpu.memref_slice %arg4[%add3A_687, %dma_start3A_690] : memref<524288x128xf32, #tpu.memory_space<hbm>> -> memref<1x128xf32, #tpu.memory_space<hbm>>
      %dma_start3A_692 = arith.constant 0 : i32
      %dma_start3A_693 = tpu.memref_slice %arg4[%add3A_687, %dma_start3A_692] : memref<524288x128xf32, #tpu.memory_space<hbm>> -> memref<1x128xf32, #tpu.memory_space<hbm>>
      %dma_start3A_694 = arith.constant 0 : i32
      %dma_start3A_695 = tpu.memref_slice %arg6[%squeeze3A_686, %dma_start3A_694] : memref<28x128xf32, #tpu.memory_space<vmem>> -> memref<1x128xf32, #tpu.memory_space<vmem>>
      tpu.enqueue_dma source(%dma_start3A_695 : memref<1x128xf32, #tpu.memory_space<vmem>>) target(%dma_start3A_693 : memref<1x128xf32, #tpu.memory_space<hbm>>) target_semaphore(%arg7 : memref<!tpu.dma_semaphore, #tpu.memory_space<semaphore_mem>>)
      %mul3A_696 = arith.constant 16 : i32
      %mul3A_697 = arith.muli %scan3A_647, %mul3A_696 : i32
      %add3A_698 = arith.constant 3 : i32
      %add3A_699 = arith.addi %mul3A_697, %add3A_698 : i32
      %slice3A_700 = vector.extract_strided_slice %get3A_651 {offsets = [3], sizes = [1], strides = [1]} : vector<16xi32> to vector<1xi32>
      %squeeze3A_701 = vector.extract %slice3A_700[0] : i32 from vector<1xi32>
      %add3A_702 = arith.addi %mul3A_2, %add3A_699 : i32
      %dma_start3A_703 = arith.constant 0 : i32
      %dma_start3A_704 = tpu.memref_slice %arg6[%squeeze3A_701, %dma_start3A_703] : memref<28x128xf32, #tpu.memory_space<vmem>> -> memref<1x128xf32, #tpu.memory_space<vmem>>
      %dma_start3A_705 = arith.constant 0 : i32
      %dma_start3A_706 = tpu.memref_slice %arg4[%add3A_702, %dma_start3A_705] : memref<524288x128xf32, #tpu.memory_space<hbm>> -> memref<1x128xf32, #tpu.memory_space<hbm>>
      %dma_start3A_707 = arith.constant 0 : i32
      %dma_start3A_708 = tpu.memref_slice %arg4[%add3A_702, %dma_start3A_707] : memref<524288x128xf32, #tpu.memory_space<hbm>> -> memref<1x128xf32, #tpu.memory_space<hbm>>
      %dma_start3A_709 = arith.constant 0 : i32
      %dma_start3A_710 = tpu.memref_slice %arg6[%squeeze3A_701, %dma_start3A_709] : memref<28x128xf32, #tpu.memory_space<vmem>> -> memref<1x128xf32, #tpu.memory_space<vmem>>
      tpu.enqueue_dma source(%dma_start3A_710 : memref<1x128xf32, #tpu.memory_space<vmem>>) target(%dma_start3A_708 : memref<1x128xf32, #tpu.memory_space<hbm>>) target_semaphore(%arg7 : memref<!tpu.dma_semaphore, #tpu.memory_space<semaphore_mem>>)
      %mul3A_711 = arith.constant 16 : i32
      %mul3A_712 = arith.muli %scan3A_647, %mul3A_711 : i32
      %add3A_713 = arith.constant 4 : i32
      %add3A_714 = arith.addi %mul3A_712, %add3A_713 : i32
      %slice3A_715 = vector.extract_strided_slice %get3A_651 {offsets = [4], sizes = [1], strides = [1]} : vector<16xi32> to vector<1xi32>
      %squeeze3A_716 = vector.extract %slice3A_715[0] : i32 from vector<1xi32>
      %add3A_717 = arith.addi %mul3A_2, %add3A_714 : i32
      %dma_start3A_718 = arith.constant 0 : i32
      %dma_start3A_719 = tpu.memref_slice %arg6[%squeeze3A_716, %dma_start3A_718] : memref<28x128xf32, #tpu.memory_space<vmem>> -> memref<1x128xf32, #tpu.memory_space<vmem>>
      %dma_start3A_720 = arith.constant 0 : i32
      %dma_start3A_721 = tpu.memref_slice %arg4[%add3A_717, %dma_start3A_720] : memref<524288x128xf32, #tpu.memory_space<hbm>> -> memref<1x128xf32, #tpu.memory_space<hbm>>
      %dma_start3A_722 = arith.constant 0 : i32
      %dma_start3A_723 = tpu.memref_slice %arg4[%add3A_717, %dma_start3A_722] : memref<524288x128xf32, #tpu.memory_space<hbm>> -> memref<1x128xf32, #tpu.memory_space<hbm>>
      %dma_start3A_724 = arith.constant 0 : i32
      %dma_start3A_725 = tpu.memref_slice %arg6[%squeeze3A_716, %dma_start3A_724] : memref<28x128xf32, #tpu.memory_space<vmem>> -> memref<1x128xf32, #tpu.memory_space<vmem>>
      tpu.enqueue_dma source(%dma_start3A_725 : memref<1x128xf32, #tpu.memory_space<vmem>>) target(%dma_start3A_723 : memref<1x128xf32, #tpu.memory_space<hbm>>) target_semaphore(%arg7 : memref<!tpu.dma_semaphore, #tpu.memory_space<semaphore_mem>>)
      %mul3A_726 = arith.constant 16 : i32
      %mul3A_727 = arith.muli %scan3A_647, %mul3A_726 : i32
      %add3A_728 = arith.constant 5 : i32
      %add3A_729 = arith.addi %mul3A_727, %add3A_728 : i32
      %slice3A_730 = vector.extract_strided_slice %get3A_651 {offsets = [5], sizes = [1], strides = [1]} : vector<16xi32> to vector<1xi32>
      %squeeze3A_731 = vector.extract %slice3A_730[0] : i32 from vector<1xi32>
      %add3A_732 = arith.addi %mul3A_2, %add3A_729 : i32
      %dma_start3A_733 = arith.constant 0 : i32
      %dma_start3A_734 = tpu.memref_slice %arg6[%squeeze3A_731, %dma_start3A_733] : memref<28x128xf32, #tpu.memory_space<vmem>> -> memref<1x128xf32, #tpu.memory_space<vmem>>
      %dma_start3A_735 = arith.constant 0 : i32
      %dma_start3A_736 = tpu.memref_slice %arg4[%add3A_732, %dma_start3A_735] : memref<524288x128xf32, #tpu.memory_space<hbm>> -> memref<1x128xf32, #tpu.memory_space<hbm>>
      %dma_start3A_737 = arith.constant 0 : i32
      %dma_start3A_738 = tpu.memref_slice %arg4[%add3A_732, %dma_start3A_737] : memref<524288x128xf32, #tpu.memory_space<hbm>> -> memref<1x128xf32, #tpu.memory_space<hbm>>
      %dma_start3A_739 = arith.constant 0 : i32
      %dma_start3A_740 = tpu.memref_slice %arg6[%squeeze3A_731, %dma_start3A_739] : memref<28x128xf32, #tpu.memory_space<vmem>> -> memref<1x128xf32, #tpu.memory_space<vmem>>
      tpu.enqueue_dma source(%dma_start3A_740 : memref<1x128xf32, #tpu.memory_space<vmem>>) target(%dma_start3A_738 : memref<1x128xf32, #tpu.memory_space<hbm>>) target_semaphore(%arg7 : memref<!tpu.dma_semaphore, #tpu.memory_space<semaphore_mem>>)
      %mul3A_741 = arith.constant 16 : i32
      %mul3A_742 = arith.muli %scan3A_647, %mul3A_741 : i32
      %add3A_743 = arith.constant 6 : i32
      %add3A_744 = arith.addi %mul3A_742, %add3A_743 : i32
      %slice3A_745 = vector.extract_strided_slice %get3A_651 {offsets = [6], sizes = [1], strides = [1]} : vector<16xi32> to vector<1xi32>
      %squeeze3A_746 = vector.extract %slice3A_745[0] : i32 from vector<1xi32>
      %add3A_747 = arith.addi %mul3A_2, %add3A_744 : i32
      %dma_start3A_748 = arith.constant 0 : i32
      %dma_start3A_749 = tpu.memref_slice %arg6[%squeeze3A_746, %dma_start3A_748] : memref<28x128xf32, #tpu.memory_space<vmem>> -> memref<1x128xf32, #tpu.memory_space<vmem>>
      %dma_start3A_750 = arith.constant 0 : i32
      %dma_start3A_751 = tpu.memref_slice %arg4[%add3A_747, %dma_start3A_750] : memref<524288x128xf32, #tpu.memory_space<hbm>> -> memref<1x128xf32, #tpu.memory_space<hbm>>
      %dma_start3A_752 = arith.constant 0 : i32
      %dma_start3A_753 = tpu.memref_slice %arg4[%add3A_747, %dma_start3A_752] : memref<524288x128xf32, #tpu.memory_space<hbm>> -> memref<1x128xf32, #tpu.memory_space<hbm>>
      %dma_start3A_754 = arith.constant 0 : i32
      %dma_start3A_755 = tpu.memref_slice %arg6[%squeeze3A_746, %dma_start3A_754] : memref<28x128xf32, #tpu.memory_space<vmem>> -> memref<1x128xf32, #tpu.memory_space<vmem>>
      tpu.enqueue_dma source(%dma_start3A_755 : memref<1x128xf32, #tpu.memory_space<vmem>>) target(%dma_start3A_753 : memref<1x128xf32, #tpu.memory_space<hbm>>) target_semaphore(%arg7 : memref<!tpu.dma_semaphore, #tpu.memory_space<semaphore_mem>>)
      %mul3A_756 = arith.constant 16 : i32
      %mul3A_757 = arith.muli %scan3A_647, %mul3A_756 : i32
      %add3A_758 = arith.constant 7 : i32
      %add3A_759 = arith.addi %mul3A_757, %add3A_758 : i32
      %slice3A_760 = vector.extract_strided_slice %get3A_651 {offsets = [7], sizes = [1], strides = [1]} : vector<16xi32> to vector<1xi32>
      %squeeze3A_761 = vector.extract %slice3A_760[0] : i32 from vector<1xi32>
      %add3A_762 = arith.addi %mul3A_2, %add3A_759 : i32
      %dma_start3A_763 = arith.constant 0 : i32
      %dma_start3A_764 = tpu.memref_slice %arg6[%squeeze3A_761, %dma_start3A_763] : memref<28x128xf32, #tpu.memory_space<vmem>> -> memref<1x128xf32, #tpu.memory_space<vmem>>
      %dma_start3A_765 = arith.constant 0 : i32
      %dma_start3A_766 = tpu.memref_slice %arg4[%add3A_762, %dma_start3A_765] : memref<524288x128xf32, #tpu.memory_space<hbm>> -> memref<1x128xf32, #tpu.memory_space<hbm>>
      %dma_start3A_767 = arith.constant 0 : i32
      %dma_start3A_768 = tpu.memref_slice %arg4[%add3A_762, %dma_start3A_767] : memref<524288x128xf32, #tpu.memory_space<hbm>> -> memref<1x128xf32, #tpu.memory_space<hbm>>
      %dma_start3A_769 = arith.constant 0 : i32
      %dma_start3A_770 = tpu.memref_slice %arg6[%squeeze3A_761, %dma_start3A_769] : memref<28x128xf32, #tpu.memory_space<vmem>> -> memref<1x128xf32, #tpu.memory_space<vmem>>
      tpu.enqueue_dma source(%dma_start3A_770 : memref<1x128xf32, #tpu.memory_space<vmem>>) target(%dma_start3A_768 : memref<1x128xf32, #tpu.memory_space<hbm>>) target_semaphore(%arg7 : memref<!tpu.dma_semaphore, #tpu.memory_space<semaphore_mem>>)
      %mul3A_771 = arith.constant 16 : i32
      %mul3A_772 = arith.muli %scan3A_647, %mul3A_771 : i32
      %add3A_773 = arith.constant 8 : i32
      %add3A_774 = arith.addi %mul3A_772, %add3A_773 : i32
      %slice3A_775 = vector.extract_strided_slice %get3A_651 {offsets = [8], sizes = [1], strides = [1]} : vector<16xi32> to vector<1xi32>
      %squeeze3A_776 = vector.extract %slice3A_775[0] : i32 from vector<1xi32>
      %add3A_777 = arith.addi %mul3A_2, %add3A_774 : i32
      %dma_start3A_778 = arith.constant 0 : i32
      %dma_start3A_779 = tpu.memref_slice %arg6[%squeeze3A_776, %dma_start3A_778] : memref<28x128xf32, #tpu.memory_space<vmem>> -> memref<1x128xf32, #tpu.memory_space<vmem>>
      %dma_start3A_780 = arith.constant 0 : i32
      %dma_start3A_781 = tpu.memref_slice %arg4[%add3A_777, %dma_start3A_780] : memref<524288x128xf32, #tpu.memory_space<hbm>> -> memref<1x128xf32, #tpu.memory_space<hbm>>
      %dma_start3A_782 = arith.constant 0 : i32
      %dma_start3A_783 = tpu.memref_slice %arg4[%add3A_777, %dma_start3A_782] : memref<524288x128xf32, #tpu.memory_space<hbm>> -> memref<1x128xf32, #tpu.memory_space<hbm>>
      %dma_start3A_784 = arith.constant 0 : i32
      %dma_start3A_785 = tpu.memref_slice %arg6[%squeeze3A_776, %dma_start3A_784] : memref<28x128xf32, #tpu.memory_space<vmem>> -> memref<1x128xf32, #tpu.memory_space<vmem>>
      tpu.enqueue_dma source(%dma_start3A_785 : memref<1x128xf32, #tpu.memory_space<vmem>>) target(%dma_start3A_783 : memref<1x128xf32, #tpu.memory_space<hbm>>) target_semaphore(%arg7 : memref<!tpu.dma_semaphore, #tpu.memory_space<semaphore_mem>>)
      %mul3A_786 = arith.constant 16 : i32
      %mul3A_787 = arith.muli %scan3A_647, %mul3A_786 : i32
      %add3A_788 = arith.constant 9 : i32
      %add3A_789 = arith.addi %mul3A_787, %add3A_788 : i32
      %slice3A_790 = vector.extract_strided_slice %get3A_651 {offsets = [9], sizes = [1], strides = [1]} : vector<16xi32> to vector<1xi32>
      %squeeze3A_791 = vector.extract %slice3A_790[0] : i32 from vector<1xi32>
      %add3A_792 = arith.addi %mul3A_2, %add3A_789 : i32
      %dma_start3A_793 = arith.constant 0 : i32
      %dma_start3A_794 = tpu.memref_slice %arg6[%squeeze3A_791, %dma_start3A_793] : memref<28x128xf32, #tpu.memory_space<vmem>> -> memref<1x128xf32, #tpu.memory_space<vmem>>
      %dma_start3A_795 = arith.constant 0 : i32
      %dma_start3A_796 = tpu.memref_slice %arg4[%add3A_792, %dma_start3A_795] : memref<524288x128xf32, #tpu.memory_space<hbm>> -> memref<1x128xf32, #tpu.memory_space<hbm>>
      %dma_start3A_797 = arith.constant 0 : i32
      %dma_start3A_798 = tpu.memref_slice %arg4[%add3A_792, %dma_start3A_797] : memref<524288x128xf32, #tpu.memory_space<hbm>> -> memref<1x128xf32, #tpu.memory_space<hbm>>
      %dma_start3A_799 = arith.constant 0 : i32
      %dma_start3A_800 = tpu.memref_slice %arg6[%squeeze3A_791, %dma_start3A_799] : memref<28x128xf32, #tpu.memory_space<vmem>> -> memref<1x128xf32, #tpu.memory_space<vmem>>
      tpu.enqueue_dma source(%dma_start3A_800 : memref<1x128xf32, #tpu.memory_space<vmem>>) target(%dma_start3A_798 : memref<1x128xf32, #tpu.memory_space<hbm>>) target_semaphore(%arg7 : memref<!tpu.dma_semaphore, #tpu.memory_space<semaphore_mem>>)
      %mul3A_801 = arith.constant 16 : i32
      %mul3A_802 = arith.muli %scan3A_647, %mul3A_801 : i32
      %add3A_803 = arith.constant 10 : i32
      %add3A_804 = arith.addi %mul3A_802, %add3A_803 : i32
      %slice3A_805 = vector.extract_strided_slice %get3A_651 {offsets = [10], sizes = [1], strides = [1]} : vector<16xi32> to vector<1xi32>
      %squeeze3A_806 = vector.extract %slice3A_805[0] : i32 from vector<1xi32>
      %add3A_807 = arith.addi %mul3A_2, %add3A_804 : i32
      %dma_start3A_808 = arith.constant 0 : i32
      %dma_start3A_809 = tpu.memref_slice %arg6[%squeeze3A_806, %dma_start3A_808] : memref<28x128xf32, #tpu.memory_space<vmem>> -> memref<1x128xf32, #tpu.memory_space<vmem>>
      %dma_start3A_810 = arith.constant 0 : i32
      %dma_start3A_811 = tpu.memref_slice %arg4[%add3A_807, %dma_start3A_810] : memref<524288x128xf32, #tpu.memory_space<hbm>> -> memref<1x128xf32, #tpu.memory_space<hbm>>
      %dma_start3A_812 = arith.constant 0 : i32
      %dma_start3A_813 = tpu.memref_slice %arg4[%add3A_807, %dma_start3A_812] : memref<524288x128xf32, #tpu.memory_space<hbm>> -> memref<1x128xf32, #tpu.memory_space<hbm>>
      %dma_start3A_814 = arith.constant 0 : i32
      %dma_start3A_815 = tpu.memref_slice %arg6[%squeeze3A_806, %dma_start3A_814] : memref<28x128xf32, #tpu.memory_space<vmem>> -> memref<1x128xf32, #tpu.memory_space<vmem>>
      tpu.enqueue_dma source(%dma_start3A_815 : memref<1x128xf32, #tpu.memory_space<vmem>>) target(%dma_start3A_813 : memref<1x128xf32, #tpu.memory_space<hbm>>) target_semaphore(%arg7 : memref<!tpu.dma_semaphore, #tpu.memory_space<semaphore_mem>>)
      %mul3A_816 = arith.constant 16 : i32
      %mul3A_817 = arith.muli %scan3A_647, %mul3A_816 : i32
      %add3A_818 = arith.constant 11 : i32
      %add3A_819 = arith.addi %mul3A_817, %add3A_818 : i32
      %slice3A_820 = vector.extract_strided_slice %get3A_651 {offsets = [11], sizes = [1], strides = [1]} : vector<16xi32> to vector<1xi32>
      %squeeze3A_821 = vector.extract %slice3A_820[0] : i32 from vector<1xi32>
      %add3A_822 = arith.addi %mul3A_2, %add3A_819 : i32
      %dma_start3A_823 = arith.constant 0 : i32
      %dma_start3A_824 = tpu.memref_slice %arg6[%squeeze3A_821, %dma_start3A_823] : memref<28x128xf32, #tpu.memory_space<vmem>> -> memref<1x128xf32, #tpu.memory_space<vmem>>
      %dma_start3A_825 = arith.constant 0 : i32
      %dma_start3A_826 = tpu.memref_slice %arg4[%add3A_822, %dma_start3A_825] : memref<524288x128xf32, #tpu.memory_space<hbm>> -> memref<1x128xf32, #tpu.memory_space<hbm>>
      %dma_start3A_827 = arith.constant 0 : i32
      %dma_start3A_828 = tpu.memref_slice %arg4[%add3A_822, %dma_start3A_827] : memref<524288x128xf32, #tpu.memory_space<hbm>> -> memref<1x128xf32, #tpu.memory_space<hbm>>
      %dma_start3A_829 = arith.constant 0 : i32
      %dma_start3A_830 = tpu.memref_slice %arg6[%squeeze3A_821, %dma_start3A_829] : memref<28x128xf32, #tpu.memory_space<vmem>> -> memref<1x128xf32, #tpu.memory_space<vmem>>
      tpu.enqueue_dma source(%dma_start3A_830 : memref<1x128xf32, #tpu.memory_space<vmem>>) target(%dma_start3A_828 : memref<1x128xf32, #tpu.memory_space<hbm>>) target_semaphore(%arg7 : memref<!tpu.dma_semaphore, #tpu.memory_space<semaphore_mem>>)
      %mul3A_831 = arith.constant 16 : i32
      %mul3A_832 = arith.muli %scan3A_647, %mul3A_831 : i32
      %add3A_833 = arith.constant 12 : i32
      %add3A_834 = arith.addi %mul3A_832, %add3A_833 : i32
      %slice3A_835 = vector.extract_strided_slice %get3A_651 {offsets = [12], sizes = [1], strides = [1]} : vector<16xi32> to vector<1xi32>
      %squeeze3A_836 = vector.extract %slice3A_835[0] : i32 from vector<1xi32>
      %add3A_837 = arith.addi %mul3A_2, %add3A_834 : i32
      %dma_start3A_838 = arith.constant 0 : i32
      %dma_start3A_839 = tpu.memref_slice %arg6[%squeeze3A_836, %dma_start3A_838] : memref<28x128xf32, #tpu.memory_space<vmem>> -> memref<1x128xf32, #tpu.memory_space<vmem>>
      %dma_start3A_840 = arith.constant 0 : i32
      %dma_start3A_841 = tpu.memref_slice %arg4[%add3A_837, %dma_start3A_840] : memref<524288x128xf32, #tpu.memory_space<hbm>> -> memref<1x128xf32, #tpu.memory_space<hbm>>
      %dma_start3A_842 = arith.constant 0 : i32
      %dma_start3A_843 = tpu.memref_slice %arg4[%add3A_837, %dma_start3A_842] : memref<524288x128xf32, #tpu.memory_space<hbm>> -> memref<1x128xf32, #tpu.memory_space<hbm>>
      %dma_start3A_844 = arith.constant 0 : i32
      %dma_start3A_845 = tpu.memref_slice %arg6[%squeeze3A_836, %dma_start3A_844] : memref<28x128xf32, #tpu.memory_space<vmem>> -> memref<1x128xf32, #tpu.memory_space<vmem>>
      tpu.enqueue_dma source(%dma_start3A_845 : memref<1x128xf32, #tpu.memory_space<vmem>>) target(%dma_start3A_843 : memref<1x128xf32, #tpu.memory_space<hbm>>) target_semaphore(%arg7 : memref<!tpu.dma_semaphore, #tpu.memory_space<semaphore_mem>>)
      %mul3A_846 = arith.constant 16 : i32
      %mul3A_847 = arith.muli %scan3A_647, %mul3A_846 : i32
      %add3A_848 = arith.constant 13 : i32
      %add3A_849 = arith.addi %mul3A_847, %add3A_848 : i32
      %slice3A_850 = vector.extract_strided_slice %get3A_651 {offsets = [13], sizes = [1], strides = [1]} : vector<16xi32> to vector<1xi32>
      %squeeze3A_851 = vector.extract %slice3A_850[0] : i32 from vector<1xi32>
      %add3A_852 = arith.addi %mul3A_2, %add3A_849 : i32
      %dma_start3A_853 = arith.constant 0 : i32
      %dma_start3A_854 = tpu.memref_slice %arg6[%squeeze3A_851, %dma_start3A_853] : memref<28x128xf32, #tpu.memory_space<vmem>> -> memref<1x128xf32, #tpu.memory_space<vmem>>
      %dma_start3A_855 = arith.constant 0 : i32
      %dma_start3A_856 = tpu.memref_slice %arg4[%add3A_852, %dma_start3A_855] : memref<524288x128xf32, #tpu.memory_space<hbm>> -> memref<1x128xf32, #tpu.memory_space<hbm>>
      %dma_start3A_857 = arith.constant 0 : i32
      %dma_start3A_858 = tpu.memref_slice %arg4[%add3A_852, %dma_start3A_857] : memref<524288x128xf32, #tpu.memory_space<hbm>> -> memref<1x128xf32, #tpu.memory_space<hbm>>
      %dma_start3A_859 = arith.constant 0 : i32
      %dma_start3A_860 = tpu.memref_slice %arg6[%squeeze3A_851, %dma_start3A_859] : memref<28x128xf32, #tpu.memory_space<vmem>> -> memref<1x128xf32, #tpu.memory_space<vmem>>
      tpu.enqueue_dma source(%dma_start3A_860 : memref<1x128xf32, #tpu.memory_space<vmem>>) target(%dma_start3A_858 : memref<1x128xf32, #tpu.memory_space<hbm>>) target_semaphore(%arg7 : memref<!tpu.dma_semaphore, #tpu.memory_space<semaphore_mem>>)
      %mul3A_861 = arith.constant 16 : i32
      %mul3A_862 = arith.muli %scan3A_647, %mul3A_861 : i32
      %add3A_863 = arith.constant 14 : i32
      %add3A_864 = arith.addi %mul3A_862, %add3A_863 : i32
      %slice3A_865 = vector.extract_strided_slice %get3A_651 {offsets = [14], sizes = [1], strides = [1]} : vector<16xi32> to vector<1xi32>
      %squeeze3A_866 = vector.extract %slice3A_865[0] : i32 from vector<1xi32>
      %add3A_867 = arith.addi %mul3A_2, %add3A_864 : i32
      %dma_start3A_868 = arith.constant 0 : i32
      %dma_start3A_869 = tpu.memref_slice %arg6[%squeeze3A_866, %dma_start3A_868] : memref<28x128xf32, #tpu.memory_space<vmem>> -> memref<1x128xf32, #tpu.memory_space<vmem>>
      %dma_start3A_870 = arith.constant 0 : i32
      %dma_start3A_871 = tpu.memref_slice %arg4[%add3A_867, %dma_start3A_870] : memref<524288x128xf32, #tpu.memory_space<hbm>> -> memref<1x128xf32, #tpu.memory_space<hbm>>
      %dma_start3A_872 = arith.constant 0 : i32
      %dma_start3A_873 = tpu.memref_slice %arg4[%add3A_867, %dma_start3A_872] : memref<524288x128xf32, #tpu.memory_space<hbm>> -> memref<1x128xf32, #tpu.memory_space<hbm>>
      %dma_start3A_874 = arith.constant 0 : i32
      %dma_start3A_875 = tpu.memref_slice %arg6[%squeeze3A_866, %dma_start3A_874] : memref<28x128xf32, #tpu.memory_space<vmem>> -> memref<1x128xf32, #tpu.memory_space<vmem>>
      tpu.enqueue_dma source(%dma_start3A_875 : memref<1x128xf32, #tpu.memory_space<vmem>>) target(%dma_start3A_873 : memref<1x128xf32, #tpu.memory_space<hbm>>) target_semaphore(%arg7 : memref<!tpu.dma_semaphore, #tpu.memory_space<semaphore_mem>>)
      %mul3A_876 = arith.constant 16 : i32
      %mul3A_877 = arith.muli %scan3A_647, %mul3A_876 : i32
      %add3A_878 = arith.constant 15 : i32
      %add3A_879 = arith.addi %mul3A_877, %add3A_878 : i32
      %slice3A_880 = vector.extract_strided_slice %get3A_651 {offsets = [15], sizes = [1], strides = [1]} : vector<16xi32> to vector<1xi32>
      %squeeze3A_881 = vector.extract %slice3A_880[0] : i32 from vector<1xi32>
      %add3A_882 = arith.addi %mul3A_2, %add3A_879 : i32
      %dma_start3A_883 = arith.constant 0 : i32
      %dma_start3A_884 = tpu.memref_slice %arg6[%squeeze3A_881, %dma_start3A_883] : memref<28x128xf32, #tpu.memory_space<vmem>> -> memref<1x128xf32, #tpu.memory_space<vmem>>
      %dma_start3A_885 = arith.constant 0 : i32
      %dma_start3A_886 = tpu.memref_slice %arg4[%add3A_882, %dma_start3A_885] : memref<524288x128xf32, #tpu.memory_space<hbm>> -> memref<1x128xf32, #tpu.memory_space<hbm>>
      %dma_start3A_887 = arith.constant 0 : i32
      %dma_start3A_888 = tpu.memref_slice %arg4[%add3A_882, %dma_start3A_887] : memref<524288x128xf32, #tpu.memory_space<hbm>> -> memref<1x128xf32, #tpu.memory_space<hbm>>
      %dma_start3A_889 = arith.constant 0 : i32
      %dma_start3A_890 = tpu.memref_slice %arg6[%squeeze3A_881, %dma_start3A_889] : memref<28x128xf32, #tpu.memory_space<vmem>> -> memref<1x128xf32, #tpu.memory_space<vmem>>
      tpu.enqueue_dma source(%dma_start3A_890 : memref<1x128xf32, #tpu.memory_space<vmem>>) target(%dma_start3A_888 : memref<1x128xf32, #tpu.memory_space<hbm>>) target_semaphore(%arg7 : memref<!tpu.dma_semaphore, #tpu.memory_space<semaphore_mem>>)
    }
    %scan3A_7 = arith.constant 1024 : i32
    %dma_wait3A = arith.constant 0 : i32
    %dma_wait3A_8 = arith.constant 0 : i32
    %dma_wait3A_9 = tpu.memref_slice %arg6[%dma_wait3A, %dma_wait3A_8] : memref<28x128xf32, #tpu.memory_space<vmem>> -> memref<1x128xf32, #tpu.memory_space<vmem>>
    %dma_wait3A_10 = arith.constant 0 : i32
    %dma_wait3A_11 = tpu.memref_slice %arg4[%mul3A_2, %dma_wait3A_10] : memref<524288x128xf32, #tpu.memory_space<hbm>> -> memref<1x128xf32, #tpu.memory_space<hbm>>
    %dma_wait3A_12 = arith.constant 0 : i32
    %dma_wait3A_13 = tpu.memref_slice %arg4[%mul3A_2, %dma_wait3A_12] : memref<524288x128xf32, #tpu.memory_space<hbm>> -> memref<1x128xf32, #tpu.memory_space<hbm>>
    %dma_wait3A_14 = arith.constant 0 : i32
    %dma_wait3A_15 = arith.constant 0 : i32
    %dma_wait3A_16 = tpu.memref_slice %arg6[%dma_wait3A_14, %dma_wait3A_15] : memref<28x128xf32, #tpu.memory_space<vmem>> -> memref<1x128xf32, #tpu.memory_space<vmem>>
    tpu.wait_dma2 semaphore(%arg7 : memref<!tpu.dma_semaphore, #tpu.memory_space<semaphore_mem>>) src(%dma_wait3A_16 : memref<1x128xf32, #tpu.memory_space<vmem>>) dst(%dma_wait3A_13 : memref<1x128xf32, #tpu.memory_space<hbm>>)
    %dma_wait3A_17 = arith.constant 0 : i32
    %dma_wait3A_18 = arith.constant 0 : i32
    %dma_wait3A_19 = tpu.memref_slice %arg6[%dma_wait3A_17, %dma_wait3A_18] : memref<28x128xf32, #tpu.memory_space<vmem>> -> memref<1x128xf32, #tpu.memory_space<vmem>>
    %dma_wait3A_20 = arith.constant 0 : i32
    %dma_wait3A_21 = tpu.memref_slice %arg4[%mul3A_2, %dma_wait3A_20] : memref<524288x128xf32, #tpu.memory_space<hbm>> -> memref<1x128xf32, #tpu.memory_space<hbm>>
    %dma_wait3A_22 = arith.constant 0 : i32
    %dma_wait3A_23 = tpu.memref_slice %arg4[%mul3A_2, %dma_wait3A_22] : memref<524288x128xf32, #tpu.memory_space<hbm>> -> memref<1x128xf32, #tpu.memory_space<hbm>>
    %dma_wait3A_24 = arith.constant 0 : i32
    %dma_wait3A_25 = arith.constant 0 : i32
    %dma_wait3A_26 = tpu.memref_slice %arg6[%dma_wait3A_24, %dma_wait3A_25] : memref<28x128xf32, #tpu.memory_space<vmem>> -> memref<1x128xf32, #tpu.memory_space<vmem>>
    tpu.wait_dma2 semaphore(%arg7 : memref<!tpu.dma_semaphore, #tpu.memory_space<semaphore_mem>>) src(%dma_wait3A_26 : memref<1x128xf32, #tpu.memory_space<vmem>>) dst(%dma_wait3A_23 : memref<1x128xf32, #tpu.memory_space<hbm>>)
    %dma_wait3A_27 = arith.constant 0 : i32
    %dma_wait3A_28 = arith.constant 0 : i32
    %dma_wait3A_29 = tpu.memref_slice %arg6[%dma_wait3A_27, %dma_wait3A_28] : memref<28x128xf32, #tpu.memory_space<vmem>> -> memref<1x128xf32, #tpu.memory_space<vmem>>
    %dma_wait3A_30 = arith.constant 0 : i32
    %dma_wait3A_31 = tpu.memref_slice %arg4[%mul3A_2, %dma_wait3A_30] : memref<524288x128xf32, #tpu.memory_space<hbm>> -> memref<1x128xf32, #tpu.memory_space<hbm>>
    %dma_wait3A_32 = arith.constant 0 : i32
    %dma_wait3A_33 = tpu.memref_slice %arg4[%mul3A_2, %dma_wait3A_32] : memref<524288x128xf32, #tpu.memory_space<hbm>> -> memref<1x128xf32, #tpu.memory_space<hbm>>
    %dma_wait3A_34 = arith.constant 0 : i32
    %dma_wait3A_35 = arith.constant 0 : i32
    %dma_wait3A_36 = tpu.memref_slice %arg6[%dma_wait3A_34, %dma_wait3A_35] : memref<28x128xf32, #tpu.memory_space<vmem>> -> memref<1x128xf32, #tpu.memory_space<vmem>>
    tpu.wait_dma2 semaphore(%arg7 : memref<!tpu.dma_semaphore, #tpu.memory_space<semaphore_mem>>) src(%dma_wait3A_36 : memref<1x128xf32, #tpu.memory_space<vmem>>) dst(%dma_wait3A_33 : memref<1x128xf32, #tpu.memory_space<hbm>>)
    %dma_wait3A_37 = arith.constant 0 : i32
    %dma_wait3A_38 = arith.constant 0 : i32
    %dma_wait3A_39 = tpu.memref_slice %arg6[%dma_wait3A_37, %dma_wait3A_38] : memref<28x128xf32, #tpu.memory_space<vmem>> -> memref<1x128xf32, #tpu.memory_space<vmem>>
    %dma_wait3A_40 = arith.constant 0 : i32
    %dma_wait3A_41 = tpu.memref_slice %arg4[%mul3A_2, %dma_wait3A_40] : memref<524288x128xf32, #tpu.memory_space<hbm>> -> memref<1x128xf32, #tpu.memory_space<hbm>>
    %dma_wait3A_42 = arith.constant 0 : i32
    %dma_wait3A_43 = tpu.memref_slice %arg4[%mul3A_2, %dma_wait3A_42] : memref<524288x128xf32, #tpu.memory_space<hbm>> -> memref<1x128xf32, #tpu.memory_space<hbm>>
    %dma_wait3A_44 = arith.constant 0 : i32
    %dma_wait3A_45 = arith.constant 0 : i32
    %dma_wait3A_46 = tpu.memref_slice %arg6[%dma_wait3A_44, %dma_wait3A_45] : memref<28x128xf32, #tpu.memory_space<vmem>> -> memref<1x128xf32, #tpu.memory_space<vmem>>
    tpu.wait_dma2 semaphore(%arg7 : memref<!tpu.dma_semaphore, #tpu.memory_space<semaphore_mem>>) src(%dma_wait3A_46 : memref<1x128xf32, #tpu.memory_space<vmem>>) dst(%dma_wait3A_43 : memref<1x128xf32, #tpu.memory_space<hbm>>)
    %dma_wait3A_47 = arith.constant 0 : i32
    %dma_wait3A_48 = arith.constant 0 : i32
    %dma_wait3A_49 = tpu.memref_slice %arg6[%dma_wait3A_47, %dma_wait3A_48] : memref<28x128xf32, #tpu.memory_space<vmem>> -> memref<1x128xf32, #tpu.memory_space<vmem>>
    %dma_wait3A_50 = arith.constant 0 : i32
    %dma_wait3A_51 = tpu.memref_slice %arg4[%mul3A_2, %dma_wait3A_50] : memref<524288x128xf32, #tpu.memory_space<hbm>> -> memref<1x128xf32, #tpu.memory_space<hbm>>
    %dma_wait3A_52 = arith.constant 0 : i32
    %dma_wait3A_53 = tpu.memref_slice %arg4[%mul3A_2, %dma_wait3A_52] : memref<524288x128xf32, #tpu.memory_space<hbm>> -> memref<1x128xf32, #tpu.memory_space<hbm>>
    %dma_wait3A_54 = arith.constant 0 : i32
    %dma_wait3A_55 = arith.constant 0 : i32
    %dma_wait3A_56 = tpu.memref_slice %arg6[%dma_wait3A_54, %dma_wait3A_55] : memref<28x128xf32, #tpu.memory_space<vmem>> -> memref<1x128xf32, #tpu.memory_space<vmem>>
    tpu.wait_dma2 semaphore(%arg7 : memref<!tpu.dma_semaphore, #tpu.memory_space<semaphore_mem>>) src(%dma_wait3A_56 : memref<1x128xf32, #tpu.memory_space<vmem>>) dst(%dma_wait3A_53 : memref<1x128xf32, #tpu.memory_space<hbm>>)
    %dma_wait3A_57 = arith.constant 0 : i32
    %dma_wait3A_58 = arith.constant 0 : i32
    %dma_wait3A_59 = tpu.memref_slice %arg6[%dma_wait3A_57, %dma_wait3A_58] : memref<28x128xf32, #tpu.memory_space<vmem>> -> memref<1x128xf32, #tpu.memory_space<vmem>>
    %dma_wait3A_60 = arith.constant 0 : i32
    %dma_wait3A_61 = tpu.memref_slice %arg4[%mul3A_2, %dma_wait3A_60] : memref<524288x128xf32, #tpu.memory_space<hbm>> -> memref<1x128xf32, #tpu.memory_space<hbm>>
    %dma_wait3A_62 = arith.constant 0 : i32
    %dma_wait3A_63 = tpu.memref_slice %arg4[%mul3A_2, %dma_wait3A_62] : memref<524288x128xf32, #tpu.memory_space<hbm>> -> memref<1x128xf32, #tpu.memory_space<hbm>>
    %dma_wait3A_64 = arith.constant 0 : i32
    %dma_wait3A_65 = arith.constant 0 : i32
    %dma_wait3A_66 = tpu.memref_slice %arg6[%dma_wait3A_64, %dma_wait3A_65] : memref<28x128xf32, #tpu.memory_space<vmem>> -> memref<1x128xf32, #tpu.memory_space<vmem>>
    tpu.wait_dma2 semaphore(%arg7 : memref<!tpu.dma_semaphore, #tpu.memory_space<semaphore_mem>>) src(%dma_wait3A_66 : memref<1x128xf32, #tpu.memory_space<vmem>>) dst(%dma_wait3A_63 : memref<1x128xf32, #tpu.memory_space<hbm>>)
    %dma_wait3A_67 = arith.constant 0 : i32
    %dma_wait3A_68 = arith.constant 0 : i32
    %dma_wait3A_69 = tpu.memref_slice %arg6[%dma_wait3A_67, %dma_wait3A_68] : memref<28x128xf32, #tpu.memory_space<vmem>> -> memref<1x128xf32, #tpu.memory_space<vmem>>
    %dma_wait3A_70 = arith.constant 0 : i32
    %dma_wait3A_71 = tpu.memref_slice %arg4[%mul3A_2, %dma_wait3A_70] : memref<524288x128xf32, #tpu.memory_space<hbm>> -> memref<1x128xf32, #tpu.memory_space<hbm>>
    %dma_wait3A_72 = arith.constant 0 : i32
    %dma_wait3A_73 = tpu.memref_slice %arg4[%mul3A_2, %dma_wait3A_72] : memref<524288x128xf32, #tpu.memory_space<hbm>> -> memref<1x128xf32, #tpu.memory_space<hbm>>
    %dma_wait3A_74 = arith.constant 0 : i32
    %dma_wait3A_75 = arith.constant 0 : i32
    %dma_wait3A_76 = tpu.memref_slice %arg6[%dma_wait3A_74, %dma_wait3A_75] : memref<28x128xf32, #tpu.memory_space<vmem>> -> memref<1x128xf32, #tpu.memory_space<vmem>>
    tpu.wait_dma2 semaphore(%arg7 : memref<!tpu.dma_semaphore, #tpu.memory_space<semaphore_mem>>) src(%dma_wait3A_76 : memref<1x128xf32, #tpu.memory_space<vmem>>) dst(%dma_wait3A_73 : memref<1x128xf32, #tpu.memory_space<hbm>>)
    %dma_wait3A_77 = arith.constant 0 : i32
    %dma_wait3A_78 = arith.constant 0 : i32
    %dma_wait3A_79 = tpu.memref_slice %arg6[%dma_wait3A_77, %dma_wait3A_78] : memref<28x128xf32, #tpu.memory_space<vmem>> -> memref<1x128xf32, #tpu.memory_space<vmem>>
    %dma_wait3A_80 = arith.constant 0 : i32
    %dma_wait3A_81 = tpu.memref_slice %arg4[%mul3A_2, %dma_wait3A_80] : memref<524288x128xf32, #tpu.memory_space<hbm>> -> memref<1x128xf32, #tpu.memory_space<hbm>>
    %dma_wait3A_82 = arith.constant 0 : i32
    %dma_wait3A_83 = tpu.memref_slice %arg4[%mul3A_2, %dma_wait3A_82] : memref<524288x128xf32, #tpu.memory_space<hbm>> -> memref<1x128xf32, #tpu.memory_space<hbm>>
    %dma_wait3A_84 = arith.constant 0 : i32
    %dma_wait3A_85 = arith.constant 0 : i32
    %dma_wait3A_86 = tpu.memref_slice %arg6[%dma_wait3A_84, %dma_wait3A_85] : memref<28x128xf32, #tpu.memory_space<vmem>> -> memref<1x128xf32, #tpu.memory_space<vmem>>
    tpu.wait_dma2 semaphore(%arg7 : memref<!tpu.dma_semaphore, #tpu.memory_space<semaphore_mem>>) src(%dma_wait3A_86 : memref<1x128xf32, #tpu.memory_space<vmem>>) dst(%dma_wait3A_83 : memref<1x128xf32, #tpu.memory_space<hbm>>)
    %dma_wait3A_87 = arith.constant 0 : i32
    %dma_wait3A_88 = arith.constant 0 : i32
    %dma_wait3A_89 = tpu.memref_slice %arg6[%dma_wait3A_87, %dma_wait3A_88] : memref<28x128xf32, #tpu.memory_space<vmem>> -> memref<1x128xf32, #tpu.memory_space<vmem>>
    %dma_wait3A_90 = arith.constant 0 : i32
    %dma_wait3A_91 = tpu.memref_slice %arg4[%mul3A_2, %dma_wait3A_90] : memref<524288x128xf32, #tpu.memory_space<hbm>> -> memref<1x128xf32, #tpu.memory_space<hbm>>
    %dma_wait3A_92 = arith.constant 0 : i32
    %dma_wait3A_93 = tpu.memref_slice %arg4[%mul3A_2, %dma_wait3A_92] : memref<524288x128xf32, #tpu.memory_space<hbm>> -> memref<1x128xf32, #tpu.memory_space<hbm>>
    %dma_wait3A_94 = arith.constant 0 : i32
    %dma_wait3A_95 = arith.constant 0 : i32
    %dma_wait3A_96 = tpu.memref_slice %arg6[%dma_wait3A_94, %dma_wait3A_95] : memref<28x128xf32, #tpu.memory_space<vmem>> -> memref<1x128xf32, #tpu.memory_space<vmem>>
    tpu.wait_dma2 semaphore(%arg7 : memref<!tpu.dma_semaphore, #tpu.memory_space<semaphore_mem>>) src(%dma_wait3A_96 : memref<1x128xf32, #tpu.memory_space<vmem>>) dst(%dma_wait3A_93 : memref<1x128xf32, #tpu.memory_space<hbm>>)
    %dma_wait3A_97 = arith.constant 0 : i32
    %dma_wait3A_98 = arith.constant 0 : i32
    %dma_wait3A_99 = tpu.memref_slice %arg6[%dma_wait3A_97, %dma_wait3A_98] : memref<28x128xf32, #tpu.memory_space<vmem>> -> memref<1x128xf32, #tpu.memory_space<vmem>>
    %dma_wait3A_100 = arith.constant 0 : i32
    %dma_wait3A_101 = tpu.memref_slice %arg4[%mul3A_2, %dma_wait3A_100] : memref<524288x128xf32, #tpu.memory_space<hbm>> -> memref<1x128xf32, #tpu.memory_space<hbm>>
    %dma_wait3A_102 = arith.constant 0 : i32
    %dma_wait3A_103 = tpu.memref_slice %arg4[%mul3A_2, %dma_wait3A_102] : memref<524288x128xf32, #tpu.memory_space<hbm>> -> memref<1x128xf32, #tpu.memory_space<hbm>>
    %dma_wait3A_104 = arith.constant 0 : i32
    %dma_wait3A_105 = arith.constant 0 : i32
    %dma_wait3A_106 = tpu.memref_slice %arg6[%dma_wait3A_104, %dma_wait3A_105] : memref<28x128xf32, #tpu.memory_space<vmem>> -> memref<1x128xf32, #tpu.memory_space<vmem>>
    tpu.wait_dma2 semaphore(%arg7 : memref<!tpu.dma_semaphore, #tpu.memory_space<semaphore_mem>>) src(%dma_wait3A_106 : memref<1x128xf32, #tpu.memory_space<vmem>>) dst(%dma_wait3A_103 : memref<1x128xf32, #tpu.memory_space<hbm>>)
    %dma_wait3A_107 = arith.constant 0 : i32
    %dma_wait3A_108 = arith.constant 0 : i32
    %dma_wait3A_109 = tpu.memref_slice %arg6[%dma_wait3A_107, %dma_wait3A_108] : memref<28x128xf32, #tpu.memory_space<vmem>> -> memref<1x128xf32, #tpu.memory_space<vmem>>
    %dma_wait3A_110 = arith.constant 0 : i32
    %dma_wait3A_111 = tpu.memref_slice %arg4[%mul3A_2, %dma_wait3A_110] : memref<524288x128xf32, #tpu.memory_space<hbm>> -> memref<1x128xf32, #tpu.memory_space<hbm>>
    %dma_wait3A_112 = arith.constant 0 : i32
    %dma_wait3A_113 = tpu.memref_slice %arg4[%mul3A_2, %dma_wait3A_112] : memref<524288x128xf32, #tpu.memory_space<hbm>> -> memref<1x128xf32, #tpu.memory_space<hbm>>
    %dma_wait3A_114 = arith.constant 0 : i32
    %dma_wait3A_115 = arith.constant 0 : i32
    %dma_wait3A_116 = tpu.memref_slice %arg6[%dma_wait3A_114, %dma_wait3A_115] : memref<28x128xf32, #tpu.memory_space<vmem>> -> memref<1x128xf32, #tpu.memory_space<vmem>>
    tpu.wait_dma2 semaphore(%arg7 : memref<!tpu.dma_semaphore, #tpu.memory_space<semaphore_mem>>) src(%dma_wait3A_116 : memref<1x128xf32, #tpu.memory_space<vmem>>) dst(%dma_wait3A_113 : memref<1x128xf32, #tpu.memory_space<hbm>>)
    %dma_wait3A_117 = arith.constant 0 : i32
    %dma_wait3A_118 = arith.constant 0 : i32
    %dma_wait3A_119 = tpu.memref_slice %arg6[%dma_wait3A_117, %dma_wait3A_118] : memref<28x128xf32, #tpu.memory_space<vmem>> -> memref<1x128xf32, #tpu.memory_space<vmem>>
    %dma_wait3A_120 = arith.constant 0 : i32
    %dma_wait3A_121 = tpu.memref_slice %arg4[%mul3A_2, %dma_wait3A_120] : memref<524288x128xf32, #tpu.memory_space<hbm>> -> memref<1x128xf32, #tpu.memory_space<hbm>>
    %dma_wait3A_122 = arith.constant 0 : i32
    %dma_wait3A_123 = tpu.memref_slice %arg4[%mul3A_2, %dma_wait3A_122] : memref<524288x128xf32, #tpu.memory_space<hbm>> -> memref<1x128xf32, #tpu.memory_space<hbm>>
    %dma_wait3A_124 = arith.constant 0 : i32
    %dma_wait3A_125 = arith.constant 0 : i32
    %dma_wait3A_126 = tpu.memref_slice %arg6[%dma_wait3A_124, %dma_wait3A_125] : memref<28x128xf32, #tpu.memory_space<vmem>> -> memref<1x128xf32, #tpu.memory_space<vmem>>
    tpu.wait_dma2 semaphore(%arg7 : memref<!tpu.dma_semaphore, #tpu.memory_space<semaphore_mem>>) src(%dma_wait3A_126 : memref<1x128xf32, #tpu.memory_space<vmem>>) dst(%dma_wait3A_123 : memref<1x128xf32, #tpu.memory_space<hbm>>)
    %dma_wait3A_127 = arith.constant 0 : i32
    %dma_wait3A_128 = arith.constant 0 : i32
    %dma_wait3A_129 = tpu.memref_slice %arg6[%dma_wait3A_127, %dma_wait3A_128] : memref<28x128xf32, #tpu.memory_space<vmem>> -> memref<1x128xf32, #tpu.memory_space<vmem>>
    %dma_wait3A_130 = arith.constant 0 : i32
    %dma_wait3A_131 = tpu.memref_slice %arg4[%mul3A_2, %dma_wait3A_130] : memref<524288x128xf32, #tpu.memory_space<hbm>> -> memref<1x128xf32, #tpu.memory_space<hbm>>
    %dma_wait3A_132 = arith.constant 0 : i32
    %dma_wait3A_133 = tpu.memref_slice %arg4[%mul3A_2, %dma_wait3A_132] : memref<524288x128xf32, #tpu.memory_space<hbm>> -> memref<1x128xf32, #tpu.memory_space<hbm>>
    %dma_wait3A_134 = arith.constant 0 : i32
    %dma_wait3A_135 = arith.constant 0 : i32
    %dma_wait3A_136 = tpu.memref_slice %arg6[%dma_wait3A_134, %dma_wait3A_135] : memref<28x128xf32, #tpu.memory_space<vmem>> -> memref<1x128xf32, #tpu.memory_space<vmem>>
    tpu.wait_dma2 semaphore(%arg7 : memref<!tpu.dma_semaphore, #tpu.memory_space<semaphore_mem>>) src(%dma_wait3A_136 : memref<1x128xf32, #tpu.memory_space<vmem>>) dst(%dma_wait3A_133 : memref<1x128xf32, #tpu.memory_space<hbm>>)
    %dma_wait3A_137 = arith.constant 0 : i32
    %dma_wait3A_138 = arith.constant 0 : i32
    %dma_wait3A_139 = tpu.memref_slice %arg6[%dma_wait3A_137, %dma_wait3A_138] : memref<28x128xf32, #tpu.memory_space<vmem>> -> memref<1x128xf32, #tpu.memory_space<vmem>>
    %dma_wait3A_140 = arith.constant 0 : i32
    %dma_wait3A_141 = tpu.memref_slice %arg4[%mul3A_2, %dma_wait3A_140] : memref<524288x128xf32, #tpu.memory_space<hbm>> -> memref<1x128xf32, #tpu.memory_space<hbm>>
    %dma_wait3A_142 = arith.constant 0 : i32
    %dma_wait3A_143 = tpu.memref_slice %arg4[%mul3A_2, %dma_wait3A_142] : memref<524288x128xf32, #tpu.memory_space<hbm>> -> memref<1x128xf32, #tpu.memory_space<hbm>>
    %dma_wait3A_144 = arith.constant 0 : i32
    %dma_wait3A_145 = arith.constant 0 : i32
    %dma_wait3A_146 = tpu.memref_slice %arg6[%dma_wait3A_144, %dma_wait3A_145] : memref<28x128xf32, #tpu.memory_space<vmem>> -> memref<1x128xf32, #tpu.memory_space<vmem>>
    tpu.wait_dma2 semaphore(%arg7 : memref<!tpu.dma_semaphore, #tpu.memory_space<semaphore_mem>>) src(%dma_wait3A_146 : memref<1x128xf32, #tpu.memory_space<vmem>>) dst(%dma_wait3A_143 : memref<1x128xf32, #tpu.memory_space<hbm>>)
    %dma_wait3A_147 = arith.constant 0 : i32
    %dma_wait3A_148 = arith.constant 0 : i32
    %dma_wait3A_149 = tpu.memref_slice %arg6[%dma_wait3A_147, %dma_wait3A_148] : memref<28x128xf32, #tpu.memory_space<vmem>> -> memref<1x128xf32, #tpu.memory_space<vmem>>
    %dma_wait3A_150 = arith.constant 0 : i32
    %dma_wait3A_151 = tpu.memref_slice %arg4[%mul3A_2, %dma_wait3A_150] : memref<524288x128xf32, #tpu.memory_space<hbm>> -> memref<1x128xf32, #tpu.memory_space<hbm>>
    %dma_wait3A_152 = arith.constant 0 : i32
    %dma_wait3A_153 = tpu.memref_slice %arg4[%mul3A_2, %dma_wait3A_152] : memref<524288x128xf32, #tpu.memory_space<hbm>> -> memref<1x128xf32, #tpu.memory_space<hbm>>
    %dma_wait3A_154 = arith.constant 0 : i32
    %dma_wait3A_155 = arith.constant 0 : i32
    %dma_wait3A_156 = tpu.memref_slice %arg6[%dma_wait3A_154, %dma_wait3A_155] : memref<28x128xf32, #tpu.memory_space<vmem>> -> memref<1x128xf32, #tpu.memory_space<vmem>>
    tpu.wait_dma2 semaphore(%arg7 : memref<!tpu.dma_semaphore, #tpu.memory_space<semaphore_mem>>) src(%dma_wait3A_156 : memref<1x128xf32, #tpu.memory_space<vmem>>) dst(%dma_wait3A_153 : memref<1x128xf32, #tpu.memory_space<hbm>>)
    %dma_wait3A_157 = arith.constant 0 : i32
    %dma_wait3A_158 = arith.constant 0 : i32
    %dma_wait3A_159 = tpu.memref_slice %arg6[%dma_wait3A_157, %dma_wait3A_158] : memref<28x128xf32, #tpu.memory_space<vmem>> -> memref<1x128xf32, #tpu.memory_space<vmem>>
    %dma_wait3A_160 = arith.constant 0 : i32
    %dma_wait3A_161 = tpu.memref_slice %arg4[%mul3A_2, %dma_wait3A_160] : memref<524288x128xf32, #tpu.memory_space<hbm>> -> memref<1x128xf32, #tpu.memory_space<hbm>>
    %dma_wait3A_162 = arith.constant 0 : i32
    %dma_wait3A_163 = tpu.memref_slice %arg4[%mul3A_2, %dma_wait3A_162] : memref<524288x128xf32, #tpu.memory_space<hbm>> -> memref<1x128xf32, #tpu.memory_space<hbm>>
    %dma_wait3A_164 = arith.constant 0 : i32
    %dma_wait3A_165 = arith.constant 0 : i32
    %dma_wait3A_166 = tpu.memref_slice %arg6[%dma_wait3A_164, %dma_wait3A_165] : memref<28x128xf32, #tpu.memory_space<vmem>> -> memref<1x128xf32, #tpu.memory_space<vmem>>
    tpu.wait_dma2 semaphore(%arg7 : memref<!tpu.dma_semaphore, #tpu.memory_space<semaphore_mem>>) src(%dma_wait3A_166 : memref<1x128xf32, #tpu.memory_space<vmem>>) dst(%dma_wait3A_163 : memref<1x128xf32, #tpu.memory_space<hbm>>)
    %dma_wait3A_167 = arith.constant 0 : i32
    %dma_wait3A_168 = arith.constant 0 : i32
    %dma_wait3A_169 = tpu.memref_slice %arg6[%dma_wait3A_167, %dma_wait3A_168] : memref<28x128xf32, #tpu.memory_space<vmem>> -> memref<1x128xf32, #tpu.memory_space<vmem>>
    %dma_wait3A_170 = arith.constant 0 : i32
    %dma_wait3A_171 = tpu.memref_slice %arg4[%mul3A_2, %dma_wait3A_170] : memref<524288x128xf32, #tpu.memory_space<hbm>> -> memref<1x128xf32, #tpu.memory_space<hbm>>
    %dma_wait3A_172 = arith.constant 0 : i32
    %dma_wait3A_173 = tpu.memref_slice %arg4[%mul3A_2, %dma_wait3A_172] : memref<524288x128xf32, #tpu.memory_space<hbm>> -> memref<1x128xf32, #tpu.memory_space<hbm>>
    %dma_wait3A_174 = arith.constant 0 : i32
    %dma_wait3A_175 = arith.constant 0 : i32
    %dma_wait3A_176 = tpu.memref_slice %arg6[%dma_wait3A_174, %dma_wait3A_175] : memref<28x128xf32, #tpu.memory_space<vmem>> -> memref<1x128xf32, #tpu.memory_space<vmem>>
    tpu.wait_dma2 semaphore(%arg7 : memref<!tpu.dma_semaphore, #tpu.memory_space<semaphore_mem>>) src(%dma_wait3A_176 : memref<1x128xf32, #tpu.memory_space<vmem>>) dst(%dma_wait3A_173 : memref<1x128xf32, #tpu.memory_space<hbm>>)
    %dma_wait3A_177 = arith.constant 0 : i32
    %dma_wait3A_178 = arith.constant 0 : i32
    %dma_wait3A_179 = tpu.memref_slice %arg6[%dma_wait3A_177, %dma_wait3A_178] : memref<28x128xf32, #tpu.memory_space<vmem>> -> memref<1x128xf32, #tpu.memory_space<vmem>>
    %dma_wait3A_180 = arith.constant 0 : i32
    %dma_wait3A_181 = tpu.memref_slice %arg4[%mul3A_2, %dma_wait3A_180] : memref<524288x128xf32, #tpu.memory_space<hbm>> -> memref<1x128xf32, #tpu.memory_space<hbm>>
    %dma_wait3A_182 = arith.constant 0 : i32
    %dma_wait3A_183 = tpu.memref_slice %arg4[%mul3A_2, %dma_wait3A_182] : memref<524288x128xf32, #tpu.memory_space<hbm>> -> memref<1x128xf32, #tpu.memory_space<hbm>>
    %dma_wait3A_184 = arith.constant 0 : i32
    %dma_wait3A_185 = arith.constant 0 : i32
    %dma_wait3A_186 = tpu.memref_slice %arg6[%dma_wait3A_184, %dma_wait3A_185] : memref<28x128xf32, #tpu.memory_space<vmem>> -> memref<1x128xf32, #tpu.memory_space<vmem>>
    tpu.wait_dma2 semaphore(%arg7 : memref<!tpu.dma_semaphore, #tpu.memory_space<semaphore_mem>>) src(%dma_wait3A_186 : memref<1x128xf32, #tpu.memory_space<vmem>>) dst(%dma_wait3A_183 : memref<1x128xf32, #tpu.memory_space<hbm>>)
    %dma_wait3A_187 = arith.constant 0 : i32
    %dma_wait3A_188 = arith.constant 0 : i32
    %dma_wait3A_189 = tpu.memref_slice %arg6[%dma_wait3A_187, %dma_wait3A_188] : memref<28x128xf32, #tpu.memory_space<vmem>> -> memref<1x128xf32, #tpu.memory_space<vmem>>
    %dma_wait3A_190 = arith.constant 0 : i32
    %dma_wait3A_191 = tpu.memref_slice %arg4[%mul3A_2, %dma_wait3A_190] : memref<524288x128xf32, #tpu.memory_space<hbm>> -> memref<1x128xf32, #tpu.memory_space<hbm>>
    %dma_wait3A_192 = arith.constant 0 : i32
    %dma_wait3A_193 = tpu.memref_slice %arg4[%mul3A_2, %dma_wait3A_192] : memref<524288x128xf32, #tpu.memory_space<hbm>> -> memref<1x128xf32, #tpu.memory_space<hbm>>
    %dma_wait3A_194 = arith.constant 0 : i32
    %dma_wait3A_195 = arith.constant 0 : i32
    %dma_wait3A_196 = tpu.memref_slice %arg6[%dma_wait3A_194, %dma_wait3A_195] : memref<28x128xf32, #tpu.memory_space<vmem>> -> memref<1x128xf32, #tpu.memory_space<vmem>>
    tpu.wait_dma2 semaphore(%arg7 : memref<!tpu.dma_semaphore, #tpu.memory_space<semaphore_mem>>) src(%dma_wait3A_196 : memref<1x128xf32, #tpu.memory_space<vmem>>) dst(%dma_wait3A_193 : memref<1x128xf32, #tpu.memory_space<hbm>>)
    %dma_wait3A_197 = arith.constant 0 : i32
    %dma_wait3A_198 = arith.constant 0 : i32
    %dma_wait3A_199 = tpu.memref_slice %arg6[%dma_wait3A_197, %dma_wait3A_198] : memref<28x128xf32, #tpu.memory_space<vmem>> -> memref<1x128xf32, #tpu.memory_space<vmem>>
    %dma_wait3A_200 = arith.constant 0 : i32
    %dma_wait3A_201 = tpu.memref_slice %arg4[%mul3A_2, %dma_wait3A_200] : memref<524288x128xf32, #tpu.memory_space<hbm>> -> memref<1x128xf32, #tpu.memory_space<hbm>>
    %dma_wait3A_202 = arith.constant 0 : i32
    %dma_wait3A_203 = tpu.memref_slice %arg4[%mul3A_2, %dma_wait3A_202] : memref<524288x128xf32, #tpu.memory_space<hbm>> -> memref<1x128xf32, #tpu.memory_space<hbm>>
    %dma_wait3A_204 = arith.constant 0 : i32
    %dma_wait3A_205 = arith.constant 0 : i32
    %dma_wait3A_206 = tpu.memref_slice %arg6[%dma_wait3A_204, %dma_wait3A_205] : memref<28x128xf32, #tpu.memory_space<vmem>> -> memref<1x128xf32, #tpu.memory_space<vmem>>
    tpu.wait_dma2 semaphore(%arg7 : memref<!tpu.dma_semaphore, #tpu.memory_space<semaphore_mem>>) src(%dma_wait3A_206 : memref<1x128xf32, #tpu.memory_space<vmem>>) dst(%dma_wait3A_203 : memref<1x128xf32, #tpu.memory_space<hbm>>)
    %dma_wait3A_207 = arith.constant 0 : i32
    %dma_wait3A_208 = arith.constant 0 : i32
    %dma_wait3A_209 = tpu.memref_slice %arg6[%dma_wait3A_207, %dma_wait3A_208] : memref<28x128xf32, #tpu.memory_space<vmem>> -> memref<1x128xf32, #tpu.memory_space<vmem>>
    %dma_wait3A_210 = arith.constant 0 : i32
    %dma_wait3A_211 = tpu.memref_slice %arg4[%mul3A_2, %dma_wait3A_210] : memref<524288x128xf32, #tpu.memory_space<hbm>> -> memref<1x128xf32, #tpu.memory_space<hbm>>
    %dma_wait3A_212 = arith.constant 0 : i32
    %dma_wait3A_213 = tpu.memref_slice %arg4[%mul3A_2, %dma_wait3A_212] : memref<524288x128xf32, #tpu.memory_space<hbm>> -> memref<1x128xf32, #tpu.memory_space<hbm>>
    %dma_wait3A_214 = arith.constant 0 : i32
    %dma_wait3A_215 = arith.constant 0 : i32
    %dma_wait3A_216 = tpu.memref_slice %arg6[%dma_wait3A_214, %dma_wait3A_215] : memref<28x128xf32, #tpu.memory_space<vmem>> -> memref<1x128xf32, #tpu.memory_space<vmem>>
    tpu.wait_dma2 semaphore(%arg7 : memref<!tpu.dma_semaphore, #tpu.memory_space<semaphore_mem>>) src(%dma_wait3A_216 : memref<1x128xf32, #tpu.memory_space<vmem>>) dst(%dma_wait3A_213 : memref<1x128xf32, #tpu.memory_space<hbm>>)
    %dma_wait3A_217 = arith.constant 0 : i32
    %dma_wait3A_218 = arith.constant 0 : i32
    %dma_wait3A_219 = tpu.memref_slice %arg6[%dma_wait3A_217, %dma_wait3A_218] : memref<28x128xf32, #tpu.memory_space<vmem>> -> memref<1x128xf32, #tpu.memory_space<vmem>>
    %dma_wait3A_220 = arith.constant 0 : i32
    %dma_wait3A_221 = tpu.memref_slice %arg4[%mul3A_2, %dma_wait3A_220] : memref<524288x128xf32, #tpu.memory_space<hbm>> -> memref<1x128xf32, #tpu.memory_space<hbm>>
    %dma_wait3A_222 = arith.constant 0 : i32
    %dma_wait3A_223 = tpu.memref_slice %arg4[%mul3A_2, %dma_wait3A_222] : memref<524288x128xf32, #tpu.memory_space<hbm>> -> memref<1x128xf32, #tpu.memory_space<hbm>>
    %dma_wait3A_224 = arith.constant 0 : i32
    %dma_wait3A_225 = arith.constant 0 : i32
    %dma_wait3A_226 = tpu.memref_slice %arg6[%dma_wait3A_224, %dma_wait3A_225] : memref<28x128xf32, #tpu.memory_space<vmem>> -> memref<1x128xf32, #tpu.memory_space<vmem>>
    tpu.wait_dma2 semaphore(%arg7 : memref<!tpu.dma_semaphore, #tpu.memory_space<semaphore_mem>>) src(%dma_wait3A_226 : memref<1x128xf32, #tpu.memory_space<vmem>>) dst(%dma_wait3A_223 : memref<1x128xf32, #tpu.memory_space<hbm>>)
    %dma_wait3A_227 = arith.constant 0 : i32
    %dma_wait3A_228 = arith.constant 0 : i32
    %dma_wait3A_229 = tpu.memref_slice %arg6[%dma_wait3A_227, %dma_wait3A_228] : memref<28x128xf32, #tpu.memory_space<vmem>> -> memref<1x128xf32, #tpu.memory_space<vmem>>
    %dma_wait3A_230 = arith.constant 0 : i32
    %dma_wait3A_231 = tpu.memref_slice %arg4[%mul3A_2, %dma_wait3A_230] : memref<524288x128xf32, #tpu.memory_space<hbm>> -> memref<1x128xf32, #tpu.memory_space<hbm>>
    %dma_wait3A_232 = arith.constant 0 : i32
    %dma_wait3A_233 = tpu.memref_slice %arg4[%mul3A_2, %dma_wait3A_232] : memref<524288x128xf32, #tpu.memory_space<hbm>> -> memref<1x128xf32, #tpu.memory_space<hbm>>
    %dma_wait3A_234 = arith.constant 0 : i32
    %dma_wait3A_235 = arith.constant 0 : i32
    %dma_wait3A_236 = tpu.memref_slice %arg6[%dma_wait3A_234, %dma_wait3A_235] : memref<28x128xf32, #tpu.memory_space<vmem>> -> memref<1x128xf32, #tpu.memory_space<vmem>>
    tpu.wait_dma2 semaphore(%arg7 : memref<!tpu.dma_semaphore, #tpu.memory_space<semaphore_mem>>) src(%dma_wait3A_236 : memref<1x128xf32, #tpu.memory_space<vmem>>) dst(%dma_wait3A_233 : memref<1x128xf32, #tpu.memory_space<hbm>>)
    %dma_wait3A_237 = arith.constant 0 : i32
    %dma_wait3A_238 = arith.constant 0 : i32
    %dma_wait3A_239 = tpu.memref_slice %arg6[%dma_wait3A_237, %dma_wait3A_238] : memref<28x128xf32, #tpu.memory_space<vmem>> -> memref<1x128xf32, #tpu.memory_space<vmem>>
    %dma_wait3A_240 = arith.constant 0 : i32
    %dma_wait3A_241 = tpu.memref_slice %arg4[%mul3A_2, %dma_wait3A_240] : memref<524288x128xf32, #tpu.memory_space<hbm>> -> memref<1x128xf32, #tpu.memory_space<hbm>>
    %dma_wait3A_242 = arith.constant 0 : i32
    %dma_wait3A_243 = tpu.memref_slice %arg4[%mul3A_2, %dma_wait3A_242] : memref<524288x128xf32, #tpu.memory_space<hbm>> -> memref<1x128xf32, #tpu.memory_space<hbm>>
    %dma_wait3A_244 = arith.constant 0 : i32
    %dma_wait3A_245 = arith.constant 0 : i32
    %dma_wait3A_246 = tpu.memref_slice %arg6[%dma_wait3A_244, %dma_wait3A_245] : memref<28x128xf32, #tpu.memory_space<vmem>> -> memref<1x128xf32, #tpu.memory_space<vmem>>
    tpu.wait_dma2 semaphore(%arg7 : memref<!tpu.dma_semaphore, #tpu.memory_space<semaphore_mem>>) src(%dma_wait3A_246 : memref<1x128xf32, #tpu.memory_space<vmem>>) dst(%dma_wait3A_243 : memref<1x128xf32, #tpu.memory_space<hbm>>)
    %dma_wait3A_247 = arith.constant 0 : i32
    %dma_wait3A_248 = arith.constant 0 : i32
    %dma_wait3A_249 = tpu.memref_slice %arg6[%dma_wait3A_247, %dma_wait3A_248] : memref<28x128xf32, #tpu.memory_space<vmem>> -> memref<1x128xf32, #tpu.memory_space<vmem>>
    %dma_wait3A_250 = arith.constant 0 : i32
    %dma_wait3A_251 = tpu.memref_slice %arg4[%mul3A_2, %dma_wait3A_250] : memref<524288x128xf32, #tpu.memory_space<hbm>> -> memref<1x128xf32, #tpu.memory_space<hbm>>
    %dma_wait3A_252 = arith.constant 0 : i32
    %dma_wait3A_253 = tpu.memref_slice %arg4[%mul3A_2, %dma_wait3A_252] : memref<524288x128xf32, #tpu.memory_space<hbm>> -> memref<1x128xf32, #tpu.memory_space<hbm>>
    %dma_wait3A_254 = arith.constant 0 : i32
    %dma_wait3A_255 = arith.constant 0 : i32
    %dma_wait3A_256 = tpu.memref_slice %arg6[%dma_wait3A_254, %dma_wait3A_255] : memref<28x128xf32, #tpu.memory_space<vmem>> -> memref<1x128xf32, #tpu.memory_space<vmem>>
    tpu.wait_dma2 semaphore(%arg7 : memref<!tpu.dma_semaphore, #tpu.memory_space<semaphore_mem>>) src(%dma_wait3A_256 : memref<1x128xf32, #tpu.memory_space<vmem>>) dst(%dma_wait3A_253 : memref<1x128xf32, #tpu.memory_space<hbm>>)
    %dma_wait3A_257 = arith.constant 0 : i32
    %dma_wait3A_258 = arith.constant 0 : i32
    %dma_wait3A_259 = tpu.memref_slice %arg6[%dma_wait3A_257, %dma_wait3A_258] : memref<28x128xf32, #tpu.memory_space<vmem>> -> memref<1x128xf32, #tpu.memory_space<vmem>>
    %dma_wait3A_260 = arith.constant 0 : i32
    %dma_wait3A_261 = tpu.memref_slice %arg4[%mul3A_2, %dma_wait3A_260] : memref<524288x128xf32, #tpu.memory_space<hbm>> -> memref<1x128xf32, #tpu.memory_space<hbm>>
    %dma_wait3A_262 = arith.constant 0 : i32
    %dma_wait3A_263 = tpu.memref_slice %arg4[%mul3A_2, %dma_wait3A_262] : memref<524288x128xf32, #tpu.memory_space<hbm>> -> memref<1x128xf32, #tpu.memory_space<hbm>>
    %dma_wait3A_264 = arith.constant 0 : i32
    %dma_wait3A_265 = arith.constant 0 : i32
    %dma_wait3A_266 = tpu.memref_slice %arg6[%dma_wait3A_264, %dma_wait3A_265] : memref<28x128xf32, #tpu.memory_space<vmem>> -> memref<1x128xf32, #tpu.memory_space<vmem>>
    tpu.wait_dma2 semaphore(%arg7 : memref<!tpu.dma_semaphore, #tpu.memory_space<semaphore_mem>>) src(%dma_wait3A_266 : memref<1x128xf32, #tpu.memory_space<vmem>>) dst(%dma_wait3A_263 : memref<1x128xf32, #tpu.memory_space<hbm>>)
    %dma_wait3A_267 = arith.constant 0 : i32
    %dma_wait3A_268 = arith.constant 0 : i32
    %dma_wait3A_269 = tpu.memref_slice %arg6[%dma_wait3A_267, %dma_wait3A_268] : memref<28x128xf32, #tpu.memory_space<vmem>> -> memref<1x128xf32, #tpu.memory_space<vmem>>
    %dma_wait3A_270 = arith.constant 0 : i32
    %dma_wait3A_271 = tpu.memref_slice %arg4[%mul3A_2, %dma_wait3A_270] : memref<524288x128xf32, #tpu.memory_space<hbm>> -> memref<1x128xf32, #tpu.memory_space<hbm>>
    %dma_wait3A_272 = arith.constant 0 : i32
    %dma_wait3A_273 = tpu.memref_slice %arg4[%mul3A_2, %dma_wait3A_272] : memref<524288x128xf32, #tpu.memory_space<hbm>> -> memref<1x128xf32, #tpu.memory_space<hbm>>
    %dma_wait3A_274 = arith.constant 0 : i32
    %dma_wait3A_275 = arith.constant 0 : i32
    %dma_wait3A_276 = tpu.memref_slice %arg6[%dma_wait3A_274, %dma_wait3A_275] : memref<28x128xf32, #tpu.memory_space<vmem>> -> memref<1x128xf32, #tpu.memory_space<vmem>>
    tpu.wait_dma2 semaphore(%arg7 : memref<!tpu.dma_semaphore, #tpu.memory_space<semaphore_mem>>) src(%dma_wait3A_276 : memref<1x128xf32, #tpu.memory_space<vmem>>) dst(%dma_wait3A_273 : memref<1x128xf32, #tpu.memory_space<hbm>>)
    %dma_wait3A_277 = arith.constant 0 : i32
    %dma_wait3A_278 = arith.constant 0 : i32
    %dma_wait3A_279 = tpu.memref_slice %arg6[%dma_wait3A_277, %dma_wait3A_278] : memref<28x128xf32, #tpu.memory_space<vmem>> -> memref<1x128xf32, #tpu.memory_space<vmem>>
    %dma_wait3A_280 = arith.constant 0 : i32
    %dma_wait3A_281 = tpu.memref_slice %arg4[%mul3A_2, %dma_wait3A_280] : memref<524288x128xf32, #tpu.memory_space<hbm>> -> memref<1x128xf32, #tpu.memory_space<hbm>>
    %dma_wait3A_282 = arith.constant 0 : i32
    %dma_wait3A_283 = tpu.memref_slice %arg4[%mul3A_2, %dma_wait3A_282] : memref<524288x128xf32, #tpu.memory_space<hbm>> -> memref<1x128xf32, #tpu.memory_space<hbm>>
    %dma_wait3A_284 = arith.constant 0 : i32
    %dma_wait3A_285 = arith.constant 0 : i32
    %dma_wait3A_286 = tpu.memref_slice %arg6[%dma_wait3A_284, %dma_wait3A_285] : memref<28x128xf32, #tpu.memory_space<vmem>> -> memref<1x128xf32, #tpu.memory_space<vmem>>
    tpu.wait_dma2 semaphore(%arg7 : memref<!tpu.dma_semaphore, #tpu.memory_space<semaphore_mem>>) src(%dma_wait3A_286 : memref<1x128xf32, #tpu.memory_space<vmem>>) dst(%dma_wait3A_283 : memref<1x128xf32, #tpu.memory_space<hbm>>)
    %dma_wait3A_287 = arith.constant 0 : i32
    %dma_wait3A_288 = arith.constant 0 : i32
    %dma_wait3A_289 = tpu.memref_slice %arg6[%dma_wait3A_287, %dma_wait3A_288] : memref<28x128xf32, #tpu.memory_space<vmem>> -> memref<1x128xf32, #tpu.memory_space<vmem>>
    %dma_wait3A_290 = arith.constant 0 : i32
    %dma_wait3A_291 = tpu.memref_slice %arg4[%mul3A_2, %dma_wait3A_290] : memref<524288x128xf32, #tpu.memory_space<hbm>> -> memref<1x128xf32, #tpu.memory_space<hbm>>
    %dma_wait3A_292 = arith.constant 0 : i32
    %dma_wait3A_293 = tpu.memref_slice %arg4[%mul3A_2, %dma_wait3A_292] : memref<524288x128xf32, #tpu.memory_space<hbm>> -> memref<1x128xf32, #tpu.memory_space<hbm>>
    %dma_wait3A_294 = arith.constant 0 : i32
    %dma_wait3A_295 = arith.constant 0 : i32
    %dma_wait3A_296 = tpu.memref_slice %arg6[%dma_wait3A_294, %dma_wait3A_295] : memref<28x128xf32, #tpu.memory_space<vmem>> -> memref<1x128xf32, #tpu.memory_space<vmem>>
    tpu.wait_dma2 semaphore(%arg7 : memref<!tpu.dma_semaphore, #tpu.memory_space<semaphore_mem>>) src(%dma_wait3A_296 : memref<1x128xf32, #tpu.memory_space<vmem>>) dst(%dma_wait3A_293 : memref<1x128xf32, #tpu.memory_space<hbm>>)
    %dma_wait3A_297 = arith.constant 0 : i32
    %dma_wait3A_298 = arith.constant 0 : i32
    %dma_wait3A_299 = tpu.memref_slice %arg6[%dma_wait3A_297, %dma_wait3A_298] : memref<28x128xf32, #tpu.memory_space<vmem>> -> memref<1x128xf32, #tpu.memory_space<vmem>>
    %dma_wait3A_300 = arith.constant 0 : i32
    %dma_wait3A_301 = tpu.memref_slice %arg4[%mul3A_2, %dma_wait3A_300] : memref<524288x128xf32, #tpu.memory_space<hbm>> -> memref<1x128xf32, #tpu.memory_space<hbm>>
    %dma_wait3A_302 = arith.constant 0 : i32
    %dma_wait3A_303 = tpu.memref_slice %arg4[%mul3A_2, %dma_wait3A_302] : memref<524288x128xf32, #tpu.memory_space<hbm>> -> memref<1x128xf32, #tpu.memory_space<hbm>>
    %dma_wait3A_304 = arith.constant 0 : i32
    %dma_wait3A_305 = arith.constant 0 : i32
    %dma_wait3A_306 = tpu.memref_slice %arg6[%dma_wait3A_304, %dma_wait3A_305] : memref<28x128xf32, #tpu.memory_space<vmem>> -> memref<1x128xf32, #tpu.memory_space<vmem>>
    tpu.wait_dma2 semaphore(%arg7 : memref<!tpu.dma_semaphore, #tpu.memory_space<semaphore_mem>>) src(%dma_wait3A_306 : memref<1x128xf32, #tpu.memory_space<vmem>>) dst(%dma_wait3A_303 : memref<1x128xf32, #tpu.memory_space<hbm>>)
    %dma_wait3A_307 = arith.constant 0 : i32
    %dma_wait3A_308 = arith.constant 0 : i32
    %dma_wait3A_309 = tpu.memref_slice %arg6[%dma_wait3A_307, %dma_wait3A_308] : memref<28x128xf32, #tpu.memory_space<vmem>> -> memref<1x128xf32, #tpu.memory_space<vmem>>
    %dma_wait3A_310 = arith.constant 0 : i32
    %dma_wait3A_311 = tpu.memref_slice %arg4[%mul3A_2, %dma_wait3A_310] : memref<524288x128xf32, #tpu.memory_space<hbm>> -> memref<1x128xf32, #tpu.memory_space<hbm>>
    %dma_wait3A_312 = arith.constant 0 : i32
    %dma_wait3A_313 = tpu.memref_slice %arg4[%mul3A_2, %dma_wait3A_312] : memref<524288x128xf32, #tpu.memory_space<hbm>> -> memref<1x128xf32, #tpu.memory_space<hbm>>
    %dma_wait3A_314 = arith.constant 0 : i32
    %dma_wait3A_315 = arith.constant 0 : i32
    %dma_wait3A_316 = tpu.memref_slice %arg6[%dma_wait3A_314, %dma_wait3A_315] : memref<28x128xf32, #tpu.memory_space<vmem>> -> memref<1x128xf32, #tpu.memory_space<vmem>>
    tpu.wait_dma2 semaphore(%arg7 : memref<!tpu.dma_semaphore, #tpu.memory_space<semaphore_mem>>) src(%dma_wait3A_316 : memref<1x128xf32, #tpu.memory_space<vmem>>) dst(%dma_wait3A_313 : memref<1x128xf32, #tpu.memory_space<hbm>>)
    %dma_wait3A_317 = arith.constant 0 : i32
    %dma_wait3A_318 = arith.constant 0 : i32
    %dma_wait3A_319 = tpu.memref_slice %arg6[%dma_wait3A_317, %dma_wait3A_318] : memref<28x128xf32, #tpu.memory_space<vmem>> -> memref<1x128xf32, #tpu.memory_space<vmem>>
    %dma_wait3A_320 = arith.constant 0 : i32
    %dma_wait3A_321 = tpu.memref_slice %arg4[%mul3A_2, %dma_wait3A_320] : memref<524288x128xf32, #tpu.memory_space<hbm>> -> memref<1x128xf32, #tpu.memory_space<hbm>>
    %dma_wait3A_322 = arith.constant 0 : i32
    %dma_wait3A_323 = tpu.memref_slice %arg4[%mul3A_2, %dma_wait3A_322] : memref<524288x128xf32, #tpu.memory_space<hbm>> -> memref<1x128xf32, #tpu.memory_space<hbm>>
    %dma_wait3A_324 = arith.constant 0 : i32
    %dma_wait3A_325 = arith.constant 0 : i32
    %dma_wait3A_326 = tpu.memref_slice %arg6[%dma_wait3A_324, %dma_wait3A_325] : memref<28x128xf32, #tpu.memory_space<vmem>> -> memref<1x128xf32, #tpu.memory_space<vmem>>
    tpu.wait_dma2 semaphore(%arg7 : memref<!tpu.dma_semaphore, #tpu.memory_space<semaphore_mem>>) src(%dma_wait3A_326 : memref<1x128xf32, #tpu.memory_space<vmem>>) dst(%dma_wait3A_323 : memref<1x128xf32, #tpu.memory_space<hbm>>)
    %dma_wait3A_327 = arith.constant 0 : i32
    %dma_wait3A_328 = arith.constant 0 : i32
    %dma_wait3A_329 = tpu.memref_slice %arg6[%dma_wait3A_327, %dma_wait3A_328] : memref<28x128xf32, #tpu.memory_space<vmem>> -> memref<1x128xf32, #tpu.memory_space<vmem>>
    %dma_wait3A_330 = arith.constant 0 : i32
    %dma_wait3A_331 = tpu.memref_slice %arg4[%mul3A_2, %dma_wait3A_330] : memref<524288x128xf32, #tpu.memory_space<hbm>> -> memref<1x128xf32, #tpu.memory_space<hbm>>
    %dma_wait3A_332 = arith.constant 0 : i32
    %dma_wait3A_333 = tpu.memref_slice %arg4[%mul3A_2, %dma_wait3A_332] : memref<524288x128xf32, #tpu.memory_space<hbm>> -> memref<1x128xf32, #tpu.memory_space<hbm>>
    %dma_wait3A_334 = arith.constant 0 : i32
    %dma_wait3A_335 = arith.constant 0 : i32
    %dma_wait3A_336 = tpu.memref_slice %arg6[%dma_wait3A_334, %dma_wait3A_335] : memref<28x128xf32, #tpu.memory_space<vmem>> -> memref<1x128xf32, #tpu.memory_space<vmem>>
    tpu.wait_dma2 semaphore(%arg7 : memref<!tpu.dma_semaphore, #tpu.memory_space<semaphore_mem>>) src(%dma_wait3A_336 : memref<1x128xf32, #tpu.memory_space<vmem>>) dst(%dma_wait3A_333 : memref<1x128xf32, #tpu.memory_space<hbm>>)
    %dma_wait3A_337 = arith.constant 0 : i32
    %dma_wait3A_338 = arith.constant 0 : i32
    %dma_wait3A_339 = tpu.memref_slice %arg6[%dma_wait3A_337, %dma_wait3A_338] : memref<28x128xf32, #tpu.memory_space<vmem>> -> memref<1x128xf32, #tpu.memory_space<vmem>>
    %dma_wait3A_340 = arith.constant 0 : i32
    %dma_wait3A_341 = tpu.memref_slice %arg4[%mul3A_2, %dma_wait3A_340] : memref<524288x128xf32, #tpu.memory_space<hbm>> -> memref<1x128xf32, #tpu.memory_space<hbm>>
    %dma_wait3A_342 = arith.constant 0 : i32
    %dma_wait3A_343 = tpu.memref_slice %arg4[%mul3A_2, %dma_wait3A_342] : memref<524288x128xf32, #tpu.memory_space<hbm>> -> memref<1x128xf32, #tpu.memory_space<hbm>>
    %dma_wait3A_344 = arith.constant 0 : i32
    %dma_wait3A_345 = arith.constant 0 : i32
    %dma_wait3A_346 = tpu.memref_slice %arg6[%dma_wait3A_344, %dma_wait3A_345] : memref<28x128xf32, #tpu.memory_space<vmem>> -> memref<1x128xf32, #tpu.memory_space<vmem>>
    tpu.wait_dma2 semaphore(%arg7 : memref<!tpu.dma_semaphore, #tpu.memory_space<semaphore_mem>>) src(%dma_wait3A_346 : memref<1x128xf32, #tpu.memory_space<vmem>>) dst(%dma_wait3A_343 : memref<1x128xf32, #tpu.memory_space<hbm>>)
    %dma_wait3A_347 = arith.constant 0 : i32
    %dma_wait3A_348 = arith.constant 0 : i32
    %dma_wait3A_349 = tpu.memref_slice %arg6[%dma_wait3A_347, %dma_wait3A_348] : memref<28x128xf32, #tpu.memory_space<vmem>> -> memref<1x128xf32, #tpu.memory_space<vmem>>
    %dma_wait3A_350 = arith.constant 0 : i32
    %dma_wait3A_351 = tpu.memref_slice %arg4[%mul3A_2, %dma_wait3A_350] : memref<524288x128xf32, #tpu.memory_space<hbm>> -> memref<1x128xf32, #tpu.memory_space<hbm>>
    %dma_wait3A_352 = arith.constant 0 : i32
    %dma_wait3A_353 = tpu.memref_slice %arg4[%mul3A_2, %dma_wait3A_352] : memref<524288x128xf32, #tpu.memory_space<hbm>> -> memref<1x128xf32, #tpu.memory_space<hbm>>
    %dma_wait3A_354 = arith.constant 0 : i32
    %dma_wait3A_355 = arith.constant 0 : i32
    %dma_wait3A_356 = tpu.memref_slice %arg6[%dma_wait3A_354, %dma_wait3A_355] : memref<28x128xf32, #tpu.memory_space<vmem>> -> memref<1x128xf32, #tpu.memory_space<vmem>>
    tpu.wait_dma2 semaphore(%arg7 : memref<!tpu.dma_semaphore, #tpu.memory_space<semaphore_mem>>) src(%dma_wait3A_356 : memref<1x128xf32, #tpu.memory_space<vmem>>) dst(%dma_wait3A_353 : memref<1x128xf32, #tpu.memory_space<hbm>>)
    %dma_wait3A_357 = arith.constant 0 : i32
    %dma_wait3A_358 = arith.constant 0 : i32
    %dma_wait3A_359 = tpu.memref_slice %arg6[%dma_wait3A_357, %dma_wait3A_358] : memref<28x128xf32, #tpu.memory_space<vmem>> -> memref<1x128xf32, #tpu.memory_space<vmem>>
    %dma_wait3A_360 = arith.constant 0 : i32
    %dma_wait3A_361 = tpu.memref_slice %arg4[%mul3A_2, %dma_wait3A_360] : memref<524288x128xf32, #tpu.memory_space<hbm>> -> memref<1x128xf32, #tpu.memory_space<hbm>>
    %dma_wait3A_362 = arith.constant 0 : i32
    %dma_wait3A_363 = tpu.memref_slice %arg4[%mul3A_2, %dma_wait3A_362] : memref<524288x128xf32, #tpu.memory_space<hbm>> -> memref<1x128xf32, #tpu.memory_space<hbm>>
    %dma_wait3A_364 = arith.constant 0 : i32
    %dma_wait3A_365 = arith.constant 0 : i32
    %dma_wait3A_366 = tpu.memref_slice %arg6[%dma_wait3A_364, %dma_wait3A_365] : memref<28x128xf32, #tpu.memory_space<vmem>> -> memref<1x128xf32, #tpu.memory_space<vmem>>
    tpu.wait_dma2 semaphore(%arg7 : memref<!tpu.dma_semaphore, #tpu.memory_space<semaphore_mem>>) src(%dma_wait3A_366 : memref<1x128xf32, #tpu.memory_space<vmem>>) dst(%dma_wait3A_363 : memref<1x128xf32, #tpu.memory_space<hbm>>)
    %dma_wait3A_367 = arith.constant 0 : i32
    %dma_wait3A_368 = arith.constant 0 : i32
    %dma_wait3A_369 = tpu.memref_slice %arg6[%dma_wait3A_367, %dma_wait3A_368] : memref<28x128xf32, #tpu.memory_space<vmem>> -> memref<1x128xf32, #tpu.memory_space<vmem>>
    %dma_wait3A_370 = arith.constant 0 : i32
    %dma_wait3A_371 = tpu.memref_slice %arg4[%mul3A_2, %dma_wait3A_370] : memref<524288x128xf32, #tpu.memory_space<hbm>> -> memref<1x128xf32, #tpu.memory_space<hbm>>
    %dma_wait3A_372 = arith.constant 0 : i32
    %dma_wait3A_373 = tpu.memref_slice %arg4[%mul3A_2, %dma_wait3A_372] : memref<524288x128xf32, #tpu.memory_space<hbm>> -> memref<1x128xf32, #tpu.memory_space<hbm>>
    %dma_wait3A_374 = arith.constant 0 : i32
    %dma_wait3A_375 = arith.constant 0 : i32
    %dma_wait3A_376 = tpu.memref_slice %arg6[%dma_wait3A_374, %dma_wait3A_375] : memref<28x128xf32, #tpu.memory_space<vmem>> -> memref<1x128xf32, #tpu.memory_space<vmem>>
    tpu.wait_dma2 semaphore(%arg7 : memref<!tpu.dma_semaphore, #tpu.memory_space<semaphore_mem>>) src(%dma_wait3A_376 : memref<1x128xf32, #tpu.memory_space<vmem>>) dst(%dma_wait3A_373 : memref<1x128xf32, #tpu.memory_space<hbm>>)
    %dma_wait3A_377 = arith.constant 0 : i32
    %dma_wait3A_378 = arith.constant 0 : i32
    %dma_wait3A_379 = tpu.memref_slice %arg6[%dma_wait3A_377, %dma_wait3A_378] : memref<28x128xf32, #tpu.memory_space<vmem>> -> memref<1x128xf32, #tpu.memory_space<vmem>>
    %dma_wait3A_380 = arith.constant 0 : i32
    %dma_wait3A_381 = tpu.memref_slice %arg4[%mul3A_2, %dma_wait3A_380] : memref<524288x128xf32, #tpu.memory_space<hbm>> -> memref<1x128xf32, #tpu.memory_space<hbm>>
    %dma_wait3A_382 = arith.constant 0 : i32
    %dma_wait3A_383 = tpu.memref_slice %arg4[%mul3A_2, %dma_wait3A_382] : memref<524288x128xf32, #tpu.memory_space<hbm>> -> memref<1x128xf32, #tpu.memory_space<hbm>>
    %dma_wait3A_384 = arith.constant 0 : i32
    %dma_wait3A_385 = arith.constant 0 : i32
    %dma_wait3A_386 = tpu.memref_slice %arg6[%dma_wait3A_384, %dma_wait3A_385] : memref<28x128xf32, #tpu.memory_space<vmem>> -> memref<1x128xf32, #tpu.memory_space<vmem>>
    tpu.wait_dma2 semaphore(%arg7 : memref<!tpu.dma_semaphore, #tpu.memory_space<semaphore_mem>>) src(%dma_wait3A_386 : memref<1x128xf32, #tpu.memory_space<vmem>>) dst(%dma_wait3A_383 : memref<1x128xf32, #tpu.memory_space<hbm>>)
    %dma_wait3A_387 = arith.constant 0 : i32
    %dma_wait3A_388 = arith.constant 0 : i32
    %dma_wait3A_389 = tpu.memref_slice %arg6[%dma_wait3A_387, %dma_wait3A_388] : memref<28x128xf32, #tpu.memory_space<vmem>> -> memref<1x128xf32, #tpu.memory_space<vmem>>
    %dma_wait3A_390 = arith.constant 0 : i32
    %dma_wait3A_391 = tpu.memref_slice %arg4[%mul3A_2, %dma_wait3A_390] : memref<524288x128xf32, #tpu.memory_space<hbm>> -> memref<1x128xf32, #tpu.memory_space<hbm>>
    %dma_wait3A_392 = arith.constant 0 : i32
    %dma_wait3A_393 = tpu.memref_slice %arg4[%mul3A_2, %dma_wait3A_392] : memref<524288x128xf32, #tpu.memory_space<hbm>> -> memref<1x128xf32, #tpu.memory_space<hbm>>
    %dma_wait3A_394 = arith.constant 0 : i32
    %dma_wait3A_395 = arith.constant 0 : i32
    %dma_wait3A_396 = tpu.memref_slice %arg6[%dma_wait3A_394, %dma_wait3A_395] : memref<28x128xf32, #tpu.memory_space<vmem>> -> memref<1x128xf32, #tpu.memory_space<vmem>>
    tpu.wait_dma2 semaphore(%arg7 : memref<!tpu.dma_semaphore, #tpu.memory_space<semaphore_mem>>) src(%dma_wait3A_396 : memref<1x128xf32, #tpu.memory_space<vmem>>) dst(%dma_wait3A_393 : memref<1x128xf32, #tpu.memory_space<hbm>>)
    %dma_wait3A_397 = arith.constant 0 : i32
    %dma_wait3A_398 = arith.constant 0 : i32
    %dma_wait3A_399 = tpu.memref_slice %arg6[%dma_wait3A_397, %dma_wait3A_398] : memref<28x128xf32, #tpu.memory_space<vmem>> -> memref<1x128xf32, #tpu.memory_space<vmem>>
    %dma_wait3A_400 = arith.constant 0 : i32
    %dma_wait3A_401 = tpu.memref_slice %arg4[%mul3A_2, %dma_wait3A_400] : memref<524288x128xf32, #tpu.memory_space<hbm>> -> memref<1x128xf32, #tpu.memory_space<hbm>>
    %dma_wait3A_402 = arith.constant 0 : i32
    %dma_wait3A_403 = tpu.memref_slice %arg4[%mul3A_2, %dma_wait3A_402] : memref<524288x128xf32, #tpu.memory_space<hbm>> -> memref<1x128xf32, #tpu.memory_space<hbm>>
    %dma_wait3A_404 = arith.constant 0 : i32
    %dma_wait3A_405 = arith.constant 0 : i32
    %dma_wait3A_406 = tpu.memref_slice %arg6[%dma_wait3A_404, %dma_wait3A_405] : memref<28x128xf32, #tpu.memory_space<vmem>> -> memref<1x128xf32, #tpu.memory_space<vmem>>
    tpu.wait_dma2 semaphore(%arg7 : memref<!tpu.dma_semaphore, #tpu.memory_space<semaphore_mem>>) src(%dma_wait3A_406 : memref<1x128xf32, #tpu.memory_space<vmem>>) dst(%dma_wait3A_403 : memref<1x128xf32, #tpu.memory_space<hbm>>)
    %dma_wait3A_407 = arith.constant 0 : i32
    %dma_wait3A_408 = arith.constant 0 : i32
    %dma_wait3A_409 = tpu.memref_slice %arg6[%dma_wait3A_407, %dma_wait3A_408] : memref<28x128xf32, #tpu.memory_space<vmem>> -> memref<1x128xf32, #tpu.memory_space<vmem>>
    %dma_wait3A_410 = arith.constant 0 : i32
    %dma_wait3A_411 = tpu.memref_slice %arg4[%mul3A_2, %dma_wait3A_410] : memref<524288x128xf32, #tpu.memory_space<hbm>> -> memref<1x128xf32, #tpu.memory_space<hbm>>
    %dma_wait3A_412 = arith.constant 0 : i32
    %dma_wait3A_413 = tpu.memref_slice %arg4[%mul3A_2, %dma_wait3A_412] : memref<524288x128xf32, #tpu.memory_space<hbm>> -> memref<1x128xf32, #tpu.memory_space<hbm>>
    %dma_wait3A_414 = arith.constant 0 : i32
    %dma_wait3A_415 = arith.constant 0 : i32
    %dma_wait3A_416 = tpu.memref_slice %arg6[%dma_wait3A_414, %dma_wait3A_415] : memref<28x128xf32, #tpu.memory_space<vmem>> -> memref<1x128xf32, #tpu.memory_space<vmem>>
    tpu.wait_dma2 semaphore(%arg7 : memref<!tpu.dma_semaphore, #tpu.memory_space<semaphore_mem>>) src(%dma_wait3A_416 : memref<1x128xf32, #tpu.memory_space<vmem>>) dst(%dma_wait3A_413 : memref<1x128xf32, #tpu.memory_space<hbm>>)
    %dma_wait3A_417 = arith.constant 0 : i32
    %dma_wait3A_418 = arith.constant 0 : i32
    %dma_wait3A_419 = tpu.memref_slice %arg6[%dma_wait3A_417, %dma_wait3A_418] : memref<28x128xf32, #tpu.memory_space<vmem>> -> memref<1x128xf32, #tpu.memory_space<vmem>>
    %dma_wait3A_420 = arith.constant 0 : i32
    %dma_wait3A_421 = tpu.memref_slice %arg4[%mul3A_2, %dma_wait3A_420] : memref<524288x128xf32, #tpu.memory_space<hbm>> -> memref<1x128xf32, #tpu.memory_space<hbm>>
    %dma_wait3A_422 = arith.constant 0 : i32
    %dma_wait3A_423 = tpu.memref_slice %arg4[%mul3A_2, %dma_wait3A_422] : memref<524288x128xf32, #tpu.memory_space<hbm>> -> memref<1x128xf32, #tpu.memory_space<hbm>>
    %dma_wait3A_424 = arith.constant 0 : i32
    %dma_wait3A_425 = arith.constant 0 : i32
    %dma_wait3A_426 = tpu.memref_slice %arg6[%dma_wait3A_424, %dma_wait3A_425] : memref<28x128xf32, #tpu.memory_space<vmem>> -> memref<1x128xf32, #tpu.memory_space<vmem>>
    tpu.wait_dma2 semaphore(%arg7 : memref<!tpu.dma_semaphore, #tpu.memory_space<semaphore_mem>>) src(%dma_wait3A_426 : memref<1x128xf32, #tpu.memory_space<vmem>>) dst(%dma_wait3A_423 : memref<1x128xf32, #tpu.memory_space<hbm>>)
    %dma_wait3A_427 = arith.constant 0 : i32
    %dma_wait3A_428 = arith.constant 0 : i32
    %dma_wait3A_429 = tpu.memref_slice %arg6[%dma_wait3A_427, %dma_wait3A_428] : memref<28x128xf32, #tpu.memory_space<vmem>> -> memref<1x128xf32, #tpu.memory_space<vmem>>
    %dma_wait3A_430 = arith.constant 0 : i32
    %dma_wait3A_431 = tpu.memref_slice %arg4[%mul3A_2, %dma_wait3A_430] : memref<524288x128xf32, #tpu.memory_space<hbm>> -> memref<1x128xf32, #tpu.memory_space<hbm>>
    %dma_wait3A_432 = arith.constant 0 : i32
    %dma_wait3A_433 = tpu.memref_slice %arg4[%mul3A_2, %dma_wait3A_432] : memref<524288x128xf32, #tpu.memory_space<hbm>> -> memref<1x128xf32, #tpu.memory_space<hbm>>
    %dma_wait3A_434 = arith.constant 0 : i32
    %dma_wait3A_435 = arith.constant 0 : i32
    %dma_wait3A_436 = tpu.memref_slice %arg6[%dma_wait3A_434, %dma_wait3A_435] : memref<28x128xf32, #tpu.memory_space<vmem>> -> memref<1x128xf32, #tpu.memory_space<vmem>>
    tpu.wait_dma2 semaphore(%arg7 : memref<!tpu.dma_semaphore, #tpu.memory_space<semaphore_mem>>) src(%dma_wait3A_436 : memref<1x128xf32, #tpu.memory_space<vmem>>) dst(%dma_wait3A_433 : memref<1x128xf32, #tpu.memory_space<hbm>>)
    %dma_wait3A_437 = arith.constant 0 : i32
    %dma_wait3A_438 = arith.constant 0 : i32
    %dma_wait3A_439 = tpu.memref_slice %arg6[%dma_wait3A_437, %dma_wait3A_438] : memref<28x128xf32, #tpu.memory_space<vmem>> -> memref<1x128xf32, #tpu.memory_space<vmem>>
    %dma_wait3A_440 = arith.constant 0 : i32
    %dma_wait3A_441 = tpu.memref_slice %arg4[%mul3A_2, %dma_wait3A_440] : memref<524288x128xf32, #tpu.memory_space<hbm>> -> memref<1x128xf32, #tpu.memory_space<hbm>>
    %dma_wait3A_442 = arith.constant 0 : i32
    %dma_wait3A_443 = tpu.memref_slice %arg4[%mul3A_2, %dma_wait3A_442] : memref<524288x128xf32, #tpu.memory_space<hbm>> -> memref<1x128xf32, #tpu.memory_space<hbm>>
    %dma_wait3A_444 = arith.constant 0 : i32
    %dma_wait3A_445 = arith.constant 0 : i32
    %dma_wait3A_446 = tpu.memref_slice %arg6[%dma_wait3A_444, %dma_wait3A_445] : memref<28x128xf32, #tpu.memory_space<vmem>> -> memref<1x128xf32, #tpu.memory_space<vmem>>
    tpu.wait_dma2 semaphore(%arg7 : memref<!tpu.dma_semaphore, #tpu.memory_space<semaphore_mem>>) src(%dma_wait3A_446 : memref<1x128xf32, #tpu.memory_space<vmem>>) dst(%dma_wait3A_443 : memref<1x128xf32, #tpu.memory_space<hbm>>)
    %dma_wait3A_447 = arith.constant 0 : i32
    %dma_wait3A_448 = arith.constant 0 : i32
    %dma_wait3A_449 = tpu.memref_slice %arg6[%dma_wait3A_447, %dma_wait3A_448] : memref<28x128xf32, #tpu.memory_space<vmem>> -> memref<1x128xf32, #tpu.memory_space<vmem>>
    %dma_wait3A_450 = arith.constant 0 : i32
    %dma_wait3A_451 = tpu.memref_slice %arg4[%mul3A_2, %dma_wait3A_450] : memref<524288x128xf32, #tpu.memory_space<hbm>> -> memref<1x128xf32, #tpu.memory_space<hbm>>
    %dma_wait3A_452 = arith.constant 0 : i32
    %dma_wait3A_453 = tpu.memref_slice %arg4[%mul3A_2, %dma_wait3A_452] : memref<524288x128xf32, #tpu.memory_space<hbm>> -> memref<1x128xf32, #tpu.memory_space<hbm>>
    %dma_wait3A_454 = arith.constant 0 : i32
    %dma_wait3A_455 = arith.constant 0 : i32
    %dma_wait3A_456 = tpu.memref_slice %arg6[%dma_wait3A_454, %dma_wait3A_455] : memref<28x128xf32, #tpu.memory_space<vmem>> -> memref<1x128xf32, #tpu.memory_space<vmem>>
    tpu.wait_dma2 semaphore(%arg7 : memref<!tpu.dma_semaphore, #tpu.memory_space<semaphore_mem>>) src(%dma_wait3A_456 : memref<1x128xf32, #tpu.memory_space<vmem>>) dst(%dma_wait3A_453 : memref<1x128xf32, #tpu.memory_space<hbm>>)
    %dma_wait3A_457 = arith.constant 0 : i32
    %dma_wait3A_458 = arith.constant 0 : i32
    %dma_wait3A_459 = tpu.memref_slice %arg6[%dma_wait3A_457, %dma_wait3A_458] : memref<28x128xf32, #tpu.memory_space<vmem>> -> memref<1x128xf32, #tpu.memory_space<vmem>>
    %dma_wait3A_460 = arith.constant 0 : i32
    %dma_wait3A_461 = tpu.memref_slice %arg4[%mul3A_2, %dma_wait3A_460] : memref<524288x128xf32, #tpu.memory_space<hbm>> -> memref<1x128xf32, #tpu.memory_space<hbm>>
    %dma_wait3A_462 = arith.constant 0 : i32
    %dma_wait3A_463 = tpu.memref_slice %arg4[%mul3A_2, %dma_wait3A_462] : memref<524288x128xf32, #tpu.memory_space<hbm>> -> memref<1x128xf32, #tpu.memory_space<hbm>>
    %dma_wait3A_464 = arith.constant 0 : i32
    %dma_wait3A_465 = arith.constant 0 : i32
    %dma_wait3A_466 = tpu.memref_slice %arg6[%dma_wait3A_464, %dma_wait3A_465] : memref<28x128xf32, #tpu.memory_space<vmem>> -> memref<1x128xf32, #tpu.memory_space<vmem>>
    tpu.wait_dma2 semaphore(%arg7 : memref<!tpu.dma_semaphore, #tpu.memory_space<semaphore_mem>>) src(%dma_wait3A_466 : memref<1x128xf32, #tpu.memory_space<vmem>>) dst(%dma_wait3A_463 : memref<1x128xf32, #tpu.memory_space<hbm>>)
    %dma_wait3A_467 = arith.constant 0 : i32
    %dma_wait3A_468 = arith.constant 0 : i32
    %dma_wait3A_469 = tpu.memref_slice %arg6[%dma_wait3A_467, %dma_wait3A_468] : memref<28x128xf32, #tpu.memory_space<vmem>> -> memref<1x128xf32, #tpu.memory_space<vmem>>
    %dma_wait3A_470 = arith.constant 0 : i32
    %dma_wait3A_471 = tpu.memref_slice %arg4[%mul3A_2, %dma_wait3A_470] : memref<524288x128xf32, #tpu.memory_space<hbm>> -> memref<1x128xf32, #tpu.memory_space<hbm>>
    %dma_wait3A_472 = arith.constant 0 : i32
    %dma_wait3A_473 = tpu.memref_slice %arg4[%mul3A_2, %dma_wait3A_472] : memref<524288x128xf32, #tpu.memory_space<hbm>> -> memref<1x128xf32, #tpu.memory_space<hbm>>
    %dma_wait3A_474 = arith.constant 0 : i32
    %dma_wait3A_475 = arith.constant 0 : i32
    %dma_wait3A_476 = tpu.memref_slice %arg6[%dma_wait3A_474, %dma_wait3A_475] : memref<28x128xf32, #tpu.memory_space<vmem>> -> memref<1x128xf32, #tpu.memory_space<vmem>>
    tpu.wait_dma2 semaphore(%arg7 : memref<!tpu.dma_semaphore, #tpu.memory_space<semaphore_mem>>) src(%dma_wait3A_476 : memref<1x128xf32, #tpu.memory_space<vmem>>) dst(%dma_wait3A_473 : memref<1x128xf32, #tpu.memory_space<hbm>>)
    %dma_wait3A_477 = arith.constant 0 : i32
    %dma_wait3A_478 = arith.constant 0 : i32
    %dma_wait3A_479 = tpu.memref_slice %arg6[%dma_wait3A_477, %dma_wait3A_478] : memref<28x128xf32, #tpu.memory_space<vmem>> -> memref<1x128xf32, #tpu.memory_space<vmem>>
    %dma_wait3A_480 = arith.constant 0 : i32
    %dma_wait3A_481 = tpu.memref_slice %arg4[%mul3A_2, %dma_wait3A_480] : memref<524288x128xf32, #tpu.memory_space<hbm>> -> memref<1x128xf32, #tpu.memory_space<hbm>>
    %dma_wait3A_482 = arith.constant 0 : i32
    %dma_wait3A_483 = tpu.memref_slice %arg4[%mul3A_2, %dma_wait3A_482] : memref<524288x128xf32, #tpu.memory_space<hbm>> -> memref<1x128xf32, #tpu.memory_space<hbm>>
    %dma_wait3A_484 = arith.constant 0 : i32
    %dma_wait3A_485 = arith.constant 0 : i32
    %dma_wait3A_486 = tpu.memref_slice %arg6[%dma_wait3A_484, %dma_wait3A_485] : memref<28x128xf32, #tpu.memory_space<vmem>> -> memref<1x128xf32, #tpu.memory_space<vmem>>
    tpu.wait_dma2 semaphore(%arg7 : memref<!tpu.dma_semaphore, #tpu.memory_space<semaphore_mem>>) src(%dma_wait3A_486 : memref<1x128xf32, #tpu.memory_space<vmem>>) dst(%dma_wait3A_483 : memref<1x128xf32, #tpu.memory_space<hbm>>)
    %dma_wait3A_487 = arith.constant 0 : i32
    %dma_wait3A_488 = arith.constant 0 : i32
    %dma_wait3A_489 = tpu.memref_slice %arg6[%dma_wait3A_487, %dma_wait3A_488] : memref<28x128xf32, #tpu.memory_space<vmem>> -> memref<1x128xf32, #tpu.memory_space<vmem>>
    %dma_wait3A_490 = arith.constant 0 : i32
    %dma_wait3A_491 = tpu.memref_slice %arg4[%mul3A_2, %dma_wait3A_490] : memref<524288x128xf32, #tpu.memory_space<hbm>> -> memref<1x128xf32, #tpu.memory_space<hbm>>
    %dma_wait3A_492 = arith.constant 0 : i32
    %dma_wait3A_493 = tpu.memref_slice %arg4[%mul3A_2, %dma_wait3A_492] : memref<524288x128xf32, #tpu.memory_space<hbm>> -> memref<1x128xf32, #tpu.memory_space<hbm>>
    %dma_wait3A_494 = arith.constant 0 : i32
    %dma_wait3A_495 = arith.constant 0 : i32
    %dma_wait3A_496 = tpu.memref_slice %arg6[%dma_wait3A_494, %dma_wait3A_495] : memref<28x128xf32, #tpu.memory_space<vmem>> -> memref<1x128xf32, #tpu.memory_space<vmem>>
    tpu.wait_dma2 semaphore(%arg7 : memref<!tpu.dma_semaphore, #tpu.memory_space<semaphore_mem>>) src(%dma_wait3A_496 : memref<1x128xf32, #tpu.memory_space<vmem>>) dst(%dma_wait3A_493 : memref<1x128xf32, #tpu.memory_space<hbm>>)
    %dma_wait3A_497 = arith.constant 0 : i32
    %dma_wait3A_498 = arith.constant 0 : i32
    %dma_wait3A_499 = tpu.memref_slice %arg6[%dma_wait3A_497, %dma_wait3A_498] : memref<28x128xf32, #tpu.memory_space<vmem>> -> memref<1x128xf32, #tpu.memory_space<vmem>>
    %dma_wait3A_500 = arith.constant 0 : i32
    %dma_wait3A_501 = tpu.memref_slice %arg4[%mul3A_2, %dma_wait3A_500] : memref<524288x128xf32, #tpu.memory_space<hbm>> -> memref<1x128xf32, #tpu.memory_space<hbm>>
    %dma_wait3A_502 = arith.constant 0 : i32
    %dma_wait3A_503 = tpu.memref_slice %arg4[%mul3A_2, %dma_wait3A_502] : memref<524288x128xf32, #tpu.memory_space<hbm>> -> memref<1x128xf32, #tpu.memory_space<hbm>>
    %dma_wait3A_504 = arith.constant 0 : i32
    %dma_wait3A_505 = arith.constant 0 : i32
    %dma_wait3A_506 = tpu.memref_slice %arg6[%dma_wait3A_504, %dma_wait3A_505] : memref<28x128xf32, #tpu.memory_space<vmem>> -> memref<1x128xf32, #tpu.memory_space<vmem>>
    tpu.wait_dma2 semaphore(%arg7 : memref<!tpu.dma_semaphore, #tpu.memory_space<semaphore_mem>>) src(%dma_wait3A_506 : memref<1x128xf32, #tpu.memory_space<vmem>>) dst(%dma_wait3A_503 : memref<1x128xf32, #tpu.memory_space<hbm>>)
    %dma_wait3A_507 = arith.constant 0 : i32
    %dma_wait3A_508 = arith.constant 0 : i32
    %dma_wait3A_509 = tpu.memref_slice %arg6[%dma_wait3A_507, %dma_wait3A_508] : memref<28x128xf32, #tpu.memory_space<vmem>> -> memref<1x128xf32, #tpu.memory_space<vmem>>
    %dma_wait3A_510 = arith.constant 0 : i32
    %dma_wait3A_511 = tpu.memref_slice %arg4[%mul3A_2, %dma_wait3A_510] : memref<524288x128xf32, #tpu.memory_space<hbm>> -> memref<1x128xf32, #tpu.memory_space<hbm>>
    %dma_wait3A_512 = arith.constant 0 : i32
    %dma_wait3A_513 = tpu.memref_slice %arg4[%mul3A_2, %dma_wait3A_512] : memref<524288x128xf32, #tpu.memory_space<hbm>> -> memref<1x128xf32, #tpu.memory_space<hbm>>
    %dma_wait3A_514 = arith.constant 0 : i32
    %dma_wait3A_515 = arith.constant 0 : i32
    %dma_wait3A_516 = tpu.memref_slice %arg6[%dma_wait3A_514, %dma_wait3A_515] : memref<28x128xf32, #tpu.memory_space<vmem>> -> memref<1x128xf32, #tpu.memory_space<vmem>>
    tpu.wait_dma2 semaphore(%arg7 : memref<!tpu.dma_semaphore, #tpu.memory_space<semaphore_mem>>) src(%dma_wait3A_516 : memref<1x128xf32, #tpu.memory_space<vmem>>) dst(%dma_wait3A_513 : memref<1x128xf32, #tpu.memory_space<hbm>>)
    %dma_wait3A_517 = arith.constant 0 : i32
    %dma_wait3A_518 = arith.constant 0 : i32
    %dma_wait3A_519 = tpu.memref_slice %arg6[%dma_wait3A_517, %dma_wait3A_518] : memref<28x128xf32, #tpu.memory_space<vmem>> -> memref<1x128xf32, #tpu.memory_space<vmem>>
    %dma_wait3A_520 = arith.constant 0 : i32
    %dma_wait3A_521 = tpu.memref_slice %arg4[%mul3A_2, %dma_wait3A_520] : memref<524288x128xf32, #tpu.memory_space<hbm>> -> memref<1x128xf32, #tpu.memory_space<hbm>>
    %dma_wait3A_522 = arith.constant 0 : i32
    %dma_wait3A_523 = tpu.memref_slice %arg4[%mul3A_2, %dma_wait3A_522] : memref<524288x128xf32, #tpu.memory_space<hbm>> -> memref<1x128xf32, #tpu.memory_space<hbm>>
    %dma_wait3A_524 = arith.constant 0 : i32
    %dma_wait3A_525 = arith.constant 0 : i32
    %dma_wait3A_526 = tpu.memref_slice %arg6[%dma_wait3A_524, %dma_wait3A_525] : memref<28x128xf32, #tpu.memory_space<vmem>> -> memref<1x128xf32, #tpu.memory_space<vmem>>
    tpu.wait_dma2 semaphore(%arg7 : memref<!tpu.dma_semaphore, #tpu.memory_space<semaphore_mem>>) src(%dma_wait3A_526 : memref<1x128xf32, #tpu.memory_space<vmem>>) dst(%dma_wait3A_523 : memref<1x128xf32, #tpu.memory_space<hbm>>)
    %dma_wait3A_527 = arith.constant 0 : i32
    %dma_wait3A_528 = arith.constant 0 : i32
    %dma_wait3A_529 = tpu.memref_slice %arg6[%dma_wait3A_527, %dma_wait3A_528] : memref<28x128xf32, #tpu.memory_space<vmem>> -> memref<1x128xf32, #tpu.memory_space<vmem>>
    %dma_wait3A_530 = arith.constant 0 : i32
    %dma_wait3A_531 = tpu.memref_slice %arg4[%mul3A_2, %dma_wait3A_530] : memref<524288x128xf32, #tpu.memory_space<hbm>> -> memref<1x128xf32, #tpu.memory_space<hbm>>
    %dma_wait3A_532 = arith.constant 0 : i32
    %dma_wait3A_533 = tpu.memref_slice %arg4[%mul3A_2, %dma_wait3A_532] : memref<524288x128xf32, #tpu.memory_space<hbm>> -> memref<1x128xf32, #tpu.memory_space<hbm>>
    %dma_wait3A_534 = arith.constant 0 : i32
    %dma_wait3A_535 = arith.constant 0 : i32
    %dma_wait3A_536 = tpu.memref_slice %arg6[%dma_wait3A_534, %dma_wait3A_535] : memref<28x128xf32, #tpu.memory_space<vmem>> -> memref<1x128xf32, #tpu.memory_space<vmem>>
    tpu.wait_dma2 semaphore(%arg7 : memref<!tpu.dma_semaphore, #tpu.memory_space<semaphore_mem>>) src(%dma_wait3A_536 : memref<1x128xf32, #tpu.memory_space<vmem>>) dst(%dma_wait3A_533 : memref<1x128xf32, #tpu.memory_space<hbm>>)
    %dma_wait3A_537 = arith.constant 0 : i32
    %dma_wait3A_538 = arith.constant 0 : i32
    %dma_wait3A_539 = tpu.memref_slice %arg6[%dma_wait3A_537, %dma_wait3A_538] : memref<28x128xf32, #tpu.memory_space<vmem>> -> memref<1x128xf32, #tpu.memory_space<vmem>>
    %dma_wait3A_540 = arith.constant 0 : i32
    %dma_wait3A_541 = tpu.memref_slice %arg4[%mul3A_2, %dma_wait3A_540] : memref<524288x128xf32, #tpu.memory_space<hbm>> -> memref<1x128xf32, #tpu.memory_space<hbm>>
    %dma_wait3A_542 = arith.constant 0 : i32
    %dma_wait3A_543 = tpu.memref_slice %arg4[%mul3A_2, %dma_wait3A_542] : memref<524288x128xf32, #tpu.memory_space<hbm>> -> memref<1x128xf32, #tpu.memory_space<hbm>>
    %dma_wait3A_544 = arith.constant 0 : i32
    %dma_wait3A_545 = arith.constant 0 : i32
    %dma_wait3A_546 = tpu.memref_slice %arg6[%dma_wait3A_544, %dma_wait3A_545] : memref<28x128xf32, #tpu.memory_space<vmem>> -> memref<1x128xf32, #tpu.memory_space<vmem>>
    tpu.wait_dma2 semaphore(%arg7 : memref<!tpu.dma_semaphore, #tpu.memory_space<semaphore_mem>>) src(%dma_wait3A_546 : memref<1x128xf32, #tpu.memory_space<vmem>>) dst(%dma_wait3A_543 : memref<1x128xf32, #tpu.memory_space<hbm>>)
    %dma_wait3A_547 = arith.constant 0 : i32
    %dma_wait3A_548 = arith.constant 0 : i32
    %dma_wait3A_549 = tpu.memref_slice %arg6[%dma_wait3A_547, %dma_wait3A_548] : memref<28x128xf32, #tpu.memory_space<vmem>> -> memref<1x128xf32, #tpu.memory_space<vmem>>
    %dma_wait3A_550 = arith.constant 0 : i32
    %dma_wait3A_551 = tpu.memref_slice %arg4[%mul3A_2, %dma_wait3A_550] : memref<524288x128xf32, #tpu.memory_space<hbm>> -> memref<1x128xf32, #tpu.memory_space<hbm>>
    %dma_wait3A_552 = arith.constant 0 : i32
    %dma_wait3A_553 = tpu.memref_slice %arg4[%mul3A_2, %dma_wait3A_552] : memref<524288x128xf32, #tpu.memory_space<hbm>> -> memref<1x128xf32, #tpu.memory_space<hbm>>
    %dma_wait3A_554 = arith.constant 0 : i32
    %dma_wait3A_555 = arith.constant 0 : i32
    %dma_wait3A_556 = tpu.memref_slice %arg6[%dma_wait3A_554, %dma_wait3A_555] : memref<28x128xf32, #tpu.memory_space<vmem>> -> memref<1x128xf32, #tpu.memory_space<vmem>>
    tpu.wait_dma2 semaphore(%arg7 : memref<!tpu.dma_semaphore, #tpu.memory_space<semaphore_mem>>) src(%dma_wait3A_556 : memref<1x128xf32, #tpu.memory_space<vmem>>) dst(%dma_wait3A_553 : memref<1x128xf32, #tpu.memory_space<hbm>>)
    %dma_wait3A_557 = arith.constant 0 : i32
    %dma_wait3A_558 = arith.constant 0 : i32
    %dma_wait3A_559 = tpu.memref_slice %arg6[%dma_wait3A_557, %dma_wait3A_558] : memref<28x128xf32, #tpu.memory_space<vmem>> -> memref<1x128xf32, #tpu.memory_space<vmem>>
    %dma_wait3A_560 = arith.constant 0 : i32
    %dma_wait3A_561 = tpu.memref_slice %arg4[%mul3A_2, %dma_wait3A_560] : memref<524288x128xf32, #tpu.memory_space<hbm>> -> memref<1x128xf32, #tpu.memory_space<hbm>>
    %dma_wait3A_562 = arith.constant 0 : i32
    %dma_wait3A_563 = tpu.memref_slice %arg4[%mul3A_2, %dma_wait3A_562] : memref<524288x128xf32, #tpu.memory_space<hbm>> -> memref<1x128xf32, #tpu.memory_space<hbm>>
    %dma_wait3A_564 = arith.constant 0 : i32
    %dma_wait3A_565 = arith.constant 0 : i32
    %dma_wait3A_566 = tpu.memref_slice %arg6[%dma_wait3A_564, %dma_wait3A_565] : memref<28x128xf32, #tpu.memory_space<vmem>> -> memref<1x128xf32, #tpu.memory_space<vmem>>
    tpu.wait_dma2 semaphore(%arg7 : memref<!tpu.dma_semaphore, #tpu.memory_space<semaphore_mem>>) src(%dma_wait3A_566 : memref<1x128xf32, #tpu.memory_space<vmem>>) dst(%dma_wait3A_563 : memref<1x128xf32, #tpu.memory_space<hbm>>)
    %dma_wait3A_567 = arith.constant 0 : i32
    %dma_wait3A_568 = arith.constant 0 : i32
    %dma_wait3A_569 = tpu.memref_slice %arg6[%dma_wait3A_567, %dma_wait3A_568] : memref<28x128xf32, #tpu.memory_space<vmem>> -> memref<1x128xf32, #tpu.memory_space<vmem>>
    %dma_wait3A_570 = arith.constant 0 : i32
    %dma_wait3A_571 = tpu.memref_slice %arg4[%mul3A_2, %dma_wait3A_570] : memref<524288x128xf32, #tpu.memory_space<hbm>> -> memref<1x128xf32, #tpu.memory_space<hbm>>
    %dma_wait3A_572 = arith.constant 0 : i32
    %dma_wait3A_573 = tpu.memref_slice %arg4[%mul3A_2, %dma_wait3A_572] : memref<524288x128xf32, #tpu.memory_space<hbm>> -> memref<1x128xf32, #tpu.memory_space<hbm>>
    %dma_wait3A_574 = arith.constant 0 : i32
    %dma_wait3A_575 = arith.constant 0 : i32
    %dma_wait3A_576 = tpu.memref_slice %arg6[%dma_wait3A_574, %dma_wait3A_575] : memref<28x128xf32, #tpu.memory_space<vmem>> -> memref<1x128xf32, #tpu.memory_space<vmem>>
    tpu.wait_dma2 semaphore(%arg7 : memref<!tpu.dma_semaphore, #tpu.memory_space<semaphore_mem>>) src(%dma_wait3A_576 : memref<1x128xf32, #tpu.memory_space<vmem>>) dst(%dma_wait3A_573 : memref<1x128xf32, #tpu.memory_space<hbm>>)
    %dma_wait3A_577 = arith.constant 0 : i32
    %dma_wait3A_578 = arith.constant 0 : i32
    %dma_wait3A_579 = tpu.memref_slice %arg6[%dma_wait3A_577, %dma_wait3A_578] : memref<28x128xf32, #tpu.memory_space<vmem>> -> memref<1x128xf32, #tpu.memory_space<vmem>>
    %dma_wait3A_580 = arith.constant 0 : i32
    %dma_wait3A_581 = tpu.memref_slice %arg4[%mul3A_2, %dma_wait3A_580] : memref<524288x128xf32, #tpu.memory_space<hbm>> -> memref<1x128xf32, #tpu.memory_space<hbm>>
    %dma_wait3A_582 = arith.constant 0 : i32
    %dma_wait3A_583 = tpu.memref_slice %arg4[%mul3A_2, %dma_wait3A_582] : memref<524288x128xf32, #tpu.memory_space<hbm>> -> memref<1x128xf32, #tpu.memory_space<hbm>>
    %dma_wait3A_584 = arith.constant 0 : i32
    %dma_wait3A_585 = arith.constant 0 : i32
    %dma_wait3A_586 = tpu.memref_slice %arg6[%dma_wait3A_584, %dma_wait3A_585] : memref<28x128xf32, #tpu.memory_space<vmem>> -> memref<1x128xf32, #tpu.memory_space<vmem>>
    tpu.wait_dma2 semaphore(%arg7 : memref<!tpu.dma_semaphore, #tpu.memory_space<semaphore_mem>>) src(%dma_wait3A_586 : memref<1x128xf32, #tpu.memory_space<vmem>>) dst(%dma_wait3A_583 : memref<1x128xf32, #tpu.memory_space<hbm>>)
    %dma_wait3A_587 = arith.constant 0 : i32
    %dma_wait3A_588 = arith.constant 0 : i32
    %dma_wait3A_589 = tpu.memref_slice %arg6[%dma_wait3A_587, %dma_wait3A_588] : memref<28x128xf32, #tpu.memory_space<vmem>> -> memref<1x128xf32, #tpu.memory_space<vmem>>
    %dma_wait3A_590 = arith.constant 0 : i32
    %dma_wait3A_591 = tpu.memref_slice %arg4[%mul3A_2, %dma_wait3A_590] : memref<524288x128xf32, #tpu.memory_space<hbm>> -> memref<1x128xf32, #tpu.memory_space<hbm>>
    %dma_wait3A_592 = arith.constant 0 : i32
    %dma_wait3A_593 = tpu.memref_slice %arg4[%mul3A_2, %dma_wait3A_592] : memref<524288x128xf32, #tpu.memory_space<hbm>> -> memref<1x128xf32, #tpu.memory_space<hbm>>
    %dma_wait3A_594 = arith.constant 0 : i32
    %dma_wait3A_595 = arith.constant 0 : i32
    %dma_wait3A_596 = tpu.memref_slice %arg6[%dma_wait3A_594, %dma_wait3A_595] : memref<28x128xf32, #tpu.memory_space<vmem>> -> memref<1x128xf32, #tpu.memory_space<vmem>>
    tpu.wait_dma2 semaphore(%arg7 : memref<!tpu.dma_semaphore, #tpu.memory_space<semaphore_mem>>) src(%dma_wait3A_596 : memref<1x128xf32, #tpu.memory_space<vmem>>) dst(%dma_wait3A_593 : memref<1x128xf32, #tpu.memory_space<hbm>>)
    %dma_wait3A_597 = arith.constant 0 : i32
    %dma_wait3A_598 = arith.constant 0 : i32
    %dma_wait3A_599 = tpu.memref_slice %arg6[%dma_wait3A_597, %dma_wait3A_598] : memref<28x128xf32, #tpu.memory_space<vmem>> -> memref<1x128xf32, #tpu.memory_space<vmem>>
    %dma_wait3A_600 = arith.constant 0 : i32
    %dma_wait3A_601 = tpu.memref_slice %arg4[%mul3A_2, %dma_wait3A_600] : memref<524288x128xf32, #tpu.memory_space<hbm>> -> memref<1x128xf32, #tpu.memory_space<hbm>>
    %dma_wait3A_602 = arith.constant 0 : i32
    %dma_wait3A_603 = tpu.memref_slice %arg4[%mul3A_2, %dma_wait3A_602] : memref<524288x128xf32, #tpu.memory_space<hbm>> -> memref<1x128xf32, #tpu.memory_space<hbm>>
    %dma_wait3A_604 = arith.constant 0 : i32
    %dma_wait3A_605 = arith.constant 0 : i32
    %dma_wait3A_606 = tpu.memref_slice %arg6[%dma_wait3A_604, %dma_wait3A_605] : memref<28x128xf32, #tpu.memory_space<vmem>> -> memref<1x128xf32, #tpu.memory_space<vmem>>
    tpu.wait_dma2 semaphore(%arg7 : memref<!tpu.dma_semaphore, #tpu.memory_space<semaphore_mem>>) src(%dma_wait3A_606 : memref<1x128xf32, #tpu.memory_space<vmem>>) dst(%dma_wait3A_603 : memref<1x128xf32, #tpu.memory_space<hbm>>)
    %dma_wait3A_607 = arith.constant 0 : i32
    %dma_wait3A_608 = arith.constant 0 : i32
    %dma_wait3A_609 = tpu.memref_slice %arg6[%dma_wait3A_607, %dma_wait3A_608] : memref<28x128xf32, #tpu.memory_space<vmem>> -> memref<1x128xf32, #tpu.memory_space<vmem>>
    %dma_wait3A_610 = arith.constant 0 : i32
    %dma_wait3A_611 = tpu.memref_slice %arg4[%mul3A_2, %dma_wait3A_610] : memref<524288x128xf32, #tpu.memory_space<hbm>> -> memref<1x128xf32, #tpu.memory_space<hbm>>
    %dma_wait3A_612 = arith.constant 0 : i32
    %dma_wait3A_613 = tpu.memref_slice %arg4[%mul3A_2, %dma_wait3A_612] : memref<524288x128xf32, #tpu.memory_space<hbm>> -> memref<1x128xf32, #tpu.memory_space<hbm>>
    %dma_wait3A_614 = arith.constant 0 : i32
    %dma_wait3A_615 = arith.constant 0 : i32
    %dma_wait3A_616 = tpu.memref_slice %arg6[%dma_wait3A_614, %dma_wait3A_615] : memref<28x128xf32, #tpu.memory_space<vmem>> -> memref<1x128xf32, #tpu.memory_space<vmem>>
    tpu.wait_dma2 semaphore(%arg7 : memref<!tpu.dma_semaphore, #tpu.memory_space<semaphore_mem>>) src(%dma_wait3A_616 : memref<1x128xf32, #tpu.memory_space<vmem>>) dst(%dma_wait3A_613 : memref<1x128xf32, #tpu.memory_space<hbm>>)
    %dma_wait3A_617 = arith.constant 0 : i32
    %dma_wait3A_618 = arith.constant 0 : i32
    %dma_wait3A_619 = tpu.memref_slice %arg6[%dma_wait3A_617, %dma_wait3A_618] : memref<28x128xf32, #tpu.memory_space<vmem>> -> memref<1x128xf32, #tpu.memory_space<vmem>>
    %dma_wait3A_620 = arith.constant 0 : i32
    %dma_wait3A_621 = tpu.memref_slice %arg4[%mul3A_2, %dma_wait3A_620] : memref<524288x128xf32, #tpu.memory_space<hbm>> -> memref<1x128xf32, #tpu.memory_space<hbm>>
    %dma_wait3A_622 = arith.constant 0 : i32
    %dma_wait3A_623 = tpu.memref_slice %arg4[%mul3A_2, %dma_wait3A_622] : memref<524288x128xf32, #tpu.memory_space<hbm>> -> memref<1x128xf32, #tpu.memory_space<hbm>>
    %dma_wait3A_624 = arith.constant 0 : i32
    %dma_wait3A_625 = arith.constant 0 : i32
    %dma_wait3A_626 = tpu.memref_slice %arg6[%dma_wait3A_624, %dma_wait3A_625] : memref<28x128xf32, #tpu.memory_space<vmem>> -> memref<1x128xf32, #tpu.memory_space<vmem>>
    tpu.wait_dma2 semaphore(%arg7 : memref<!tpu.dma_semaphore, #tpu.memory_space<semaphore_mem>>) src(%dma_wait3A_626 : memref<1x128xf32, #tpu.memory_space<vmem>>) dst(%dma_wait3A_623 : memref<1x128xf32, #tpu.memory_space<hbm>>)
    %dma_wait3A_627 = arith.constant 0 : i32
    %dma_wait3A_628 = arith.constant 0 : i32
    %dma_wait3A_629 = tpu.memref_slice %arg6[%dma_wait3A_627, %dma_wait3A_628] : memref<28x128xf32, #tpu.memory_space<vmem>> -> memref<1x128xf32, #tpu.memory_space<vmem>>
    %dma_wait3A_630 = arith.constant 0 : i32
    %dma_wait3A_631 = tpu.memref_slice %arg4[%mul3A_2, %dma_wait3A_630] : memref<524288x128xf32, #tpu.memory_space<hbm>> -> memref<1x128xf32, #tpu.memory_space<hbm>>
    %dma_wait3A_632 = arith.constant 0 : i32
    %dma_wait3A_633 = tpu.memref_slice %arg4[%mul3A_2, %dma_wait3A_632] : memref<524288x128xf32, #tpu.memory_space<hbm>> -> memref<1x128xf32, #tpu.memory_space<hbm>>
    %dma_wait3A_634 = arith.constant 0 : i32
    %dma_wait3A_635 = arith.constant 0 : i32
    %dma_wait3A_636 = tpu.memref_slice %arg6[%dma_wait3A_634, %dma_wait3A_635] : memref<28x128xf32, #tpu.memory_space<vmem>> -> memref<1x128xf32, #tpu.memory_space<vmem>>
    tpu.wait_dma2 semaphore(%arg7 : memref<!tpu.dma_semaphore, #tpu.memory_space<semaphore_mem>>) src(%dma_wait3A_636 : memref<1x128xf32, #tpu.memory_space<vmem>>) dst(%dma_wait3A_633 : memref<1x128xf32, #tpu.memory_space<hbm>>)
    %dma_wait3A_637 = arith.constant 0 : i32
    %dma_wait3A_638 = arith.constant 0 : i32
    %dma_wait3A_639 = tpu.memref_slice %arg6[%dma_wait3A_637, %dma_wait3A_638] : memref<28x128xf32, #tpu.memory_space<vmem>> -> memref<1x128xf32, #tpu.memory_space<vmem>>
    %dma_wait3A_640 = arith.constant 0 : i32
    %dma_wait3A_641 = tpu.memref_slice %arg4[%mul3A_2, %dma_wait3A_640] : memref<524288x128xf32, #tpu.memory_space<hbm>> -> memref<1x128xf32, #tpu.memory_space<hbm>>
    %dma_wait3A_642 = arith.constant 0 : i32
    %dma_wait3A_643 = tpu.memref_slice %arg4[%mul3A_2, %dma_wait3A_642] : memref<524288x128xf32, #tpu.memory_space<hbm>> -> memref<1x128xf32, #tpu.memory_space<hbm>>
    %dma_wait3A_644 = arith.constant 0 : i32
    %dma_wait3A_645 = arith.constant 0 : i32
    %dma_wait3A_646 = tpu.memref_slice %arg6[%dma_wait3A_644, %dma_wait3A_645] : memref<28x128xf32, #tpu.memory_space<vmem>> -> memref<1x128xf32, #tpu.memory_space<vmem>>
    tpu.wait_dma2 semaphore(%arg7 : memref<!tpu.dma_semaphore, #tpu.memory_space<semaphore_mem>>) src(%dma_wait3A_646 : memref<1x128xf32, #tpu.memory_space<vmem>>) dst(%dma_wait3A_643 : memref<1x128xf32, #tpu.memory_space<hbm>>)
    return
  }
}

</mosaic_0001>

<sc_bundles>
// kernel: kernel.3.cloned.1.call-start
scs
__scs_entry_jumppad:
0x0: {  	(pc) =	sbr.rel $0x88, $3  }
0x1: {  	(tag) =	ssettag $0x0;
	lr =	simm.s32 $0x1  }
0x2: {  	[smem:$0x3F9F] =	sst lr;
	_ =	strace $0xD0000000  }
0x3: {  	_ = 	snop  }
0x4: {  	_ = 	snop  }
0x5: {  	_ = 	snop  }
0x6: {  	_ = 	snop  }
0x7: {  	_ = 	snop  }
__scs_overlays_trampoline_lowered:
0x8: {  	[smem:$0x3FAE] =	sst s0  }
0x9: {  	[smem:$0x3FAF] =	sst s1  }
0xa: {  	[smem:$0x3FB0] =	sst s2  }
0xb: {  	[smem:$0x3FB1] =	sst s3  }
0xc: {  	[smem:$0x3FB2] =	sst s4  }
0xd: {  	[smem:$0x3FB3] =	sst s5  }
0xe: {  	[smem:$0x3FB4] =	sst s6  }
0xf: {  	[smem:$0x3FB5] =	sst s7  }
0x10: {  	[smem:$0x3FB6] =	sst s8  }
0x11: {  	[smem:$0x3FB7] =	sst s9;
	s0 =	simm.s32 @!p0 $0x0  }
0x12: {  	s1 =	sld [smem:$0x3F9D];
	s0 =	simm.s32 @p0 $0x1  }
0x13: {  	[smem:$0x3FB8] =	sst s0;
	s0 =	simm.s32 @!p1 $0x0  }
0x14: {  	s2 =	sld [smem:$0x3F9C];
	s0 =	simm.s32 @p1 $0x1  }
0x15: {  	[smem:$0x3FB9] =	sst s0;
	s0 =	simm.s32 @!p2 $0x0  }
0x16: {  	s3 =	sld [smem:$0x3FDB];
	s0 =	simm.s32 @p2 $0x1  }
0x17: {  	s4 =	simm.s32 $0x1BF5;
	[smem:$0x3FBB] =	sst s0  }
0x18: {  	s0 =	sld [smem:$0x3F9E];
	_ =	swait.ge [sflag:s4], $0x0  }
0x19: {  	s7 =	sld [smem:$0x3F9F]  }
0x1a: {  	s8 =	sadd.s32 $0xFFFFE003, lr  }
0x1b: {  	s9 =	sadd.s32 $0xFFFFFEF7, lr;
	s5 =	simm.s32 $0xFFFFFFFF;
	p2 =	slt.u32 s8, $0xFFFFF086  }
0x1c: {  	p1 =	slt.u32 s9, $0xF7A;
	s5 =	simm.s32 @!p2 $0x0  }
0x1d: {  	s5 =	simm.s32 @p1 $0x1;
	p0 =	seq.s32 s7, s2  }
0x1e: {  	s7 =	smul.u32 @!p0 $0xF7A, s2;
	p2 =	seq.s32 @!p0 s5, $0x0  }
0x1f: {  	s9 =	smul.u32 $0xF7A, s1;
	s8 =	simm.s32 @!p0 $0x1BF5;
	p2 =	por !p2, p0  }
0x20: {  	[sflag:s8] =	ssyncset.s32 @!p0 $0xFFFFF086;
	s6 =	sadd.s32 @!p0 s3, s7;
	s7 =	simm.s32 @!p0 $0x108  }
0x21: {  	s3 =	sadd.s32 s3, s9;
	s6 =	sadd.s32 @!p0 $0x88, s6;
	s7 =	simm.s32 @p2 $0x1082  }
0x22: {  	[simem:s7], [sflag:s8] =	dma.local @!p0 [hbm:s6], $0xF7A  }
0x23: {  	s9 =	sor.u32 $0xD0000000, s2;
	s6 =	simm.s32 $0x108;
	_ =	swait.ge @!p0 [sflag:s8], $0x0  }
0x24: {  	s3 =	sadd.s32 $0x88, s3;
	s6 =	simm.s32 @!p1 $0x1082;
	[sflag:s4] =	ssyncset.s32 $0xFFFFF086  }
0x25: {  	[simem:s6], [sflag:s4] =	dma.local [hbm:s3], $0xF7A  }
0x26: {  	[smem:$0x3F9F] =	sst s1;
	(tag) =	ssettag s2;
	_ =	strace s9  }
0x27: {  	s1 =	sld [smem:$0x3FAF]  }
0x28: {  	s2 =	sld [smem:$0x3FB0]  }
0x29: {  	s4 =	sld [smem:$0x3FB2]  }
0x2a: {  	p0 =	seq.s32 s5, $0x0;
	s5 =	sld [smem:$0x3FB3]  }
0x2b: {  	s6 =	sld [smem:$0x3FB4]  }
0x2c: {  	s7 =	sld [smem:$0x3FB5]  }
0x2d: {  	s3 =	simm.s32 $0x108;
	s8 =	sld [smem:$0x3FB6]  }
0x2e: {  	s3 =	simm.s32 @!p0 $0x1082;
	s9 =	sld [smem:$0x3FB7]  }
0x2f: {  	lr =	sadd.s32 s0, s3;
	s0 =	sld [smem:$0x3FAE]  }
0x30: {  	s3 =	sld [smem:$0x3FB1]  }
0x31: {  	[smem:$0x3FBA] =	sst s10  }
0x32: {  	s10 =	sld [smem:$0x3FB8];
	_ =	sdelay $0x3  }
0x33: {  	p0 =	seq.s32 s10, $0x1;
	s10 =	sld [smem:$0x3FBA];
	_ =	sdelay $0x3  }
0x34: {  	[smem:$0x3FBA] =	sst s10  }
0x35: {  	s10 =	sld [smem:$0x3FB9];
	_ =	sdelay $0x3  }
0x36: {  	p1 =	seq.s32 s10, $0x1;
	s10 =	sld [smem:$0x3FBA];
	_ =	sdelay $0x3  }
0x37: {  	[smem:$0x3FBA] =	sst s10  }
0x38: {  	s10 =	sld [smem:$0x3FBB]  }
0x39: {  	_ = 	snop;
	(pc) =	sbr.ind lr, $3  }
0x3a: {  	_ = 	snop  }
0x3b: {  	_ = 	snop  }
0x3c: {  	p2 =	seq.s32 s10, $0x1;
	s10 =	sld [smem:$0x3FBA]  }
0x3d: {  	_ =	shalt  }
0x3e: {  	_ =	shalt  }
0x3f: {  	_ =	shalt  }
0x40: {  	_ =	shalt  }
0x41: {  	_ =	shalt  }
0x42: {  	_ =	shalt  }
0x43: {  	_ =	shalt  }
0x44: {  	_ =	shalt  }
0x45: {  	_ =	shalt  }
0x46: {  	_ =	shalt  }
0x47: {  	_ =	shalt  }
0x48: {  	_ =	shalt  }
0x49: {  	_ =	shalt  }
0x4a: {  	_ =	shalt  }
0x4b: {  	_ =	shalt  }
0x4c: {  	_ =	shalt  }
0x4d: {  	_ =	shalt  }
0x4e: {  	_ =	shalt  }
0x4f: {  	_ =	shalt  }
0x50: {  	_ =	shalt  }
0x51: {  	_ =	shalt  }
0x52: {  	_ =	shalt  }
0x53: {  	_ =	shalt  }
0x54: {  	_ =	shalt  }
0x55: {  	_ =	shalt  }
0x56: {  	_ =	shalt  }
0x57: {  	_ =	shalt  }
0x58: {  	_ =	shalt  }
0x59: {  	_ =	shalt  }
0x5a: {  	_ =	shalt  }
0x5b: {  	_ =	shalt  }
0x5c: {  	_ =	shalt  }
0x5d: {  	_ =	shalt  }
0x5e: {  	_ =	shalt  }
0x5f: {  	_ =	shalt  }
0x60: {  	_ =	shalt  }
0x61: {  	_ =	shalt  }
0x62: {  	_ =	shalt  }
0x63: {  	_ =	shalt  }
0x64: {  	_ =	shalt  }
0x65: {  	_ =	shalt  }
0x66: {  	_ =	shalt  }
0x67: {  	_ =	shalt  }
0x68: {  	_ =	shalt  }
0x69: {  	_ =	shalt  }
0x6a: {  	_ =	shalt  }
0x6b: {  	_ =	shalt  }
0x6c: {  	_ =	shalt  }
0x6d: {  	_ =	shalt  }
0x6e: {  	_ =	shalt  }
0x6f: {  	_ =	shalt  }
0x70: {  	_ =	shalt  }
0x71: {  	_ =	shalt  }
0x72: {  	_ =	shalt  }
0x73: {  	_ =	shalt  }
0x74: {  	_ =	shalt  }
0x75: {  	_ =	shalt  }
0x76: {  	_ =	shalt  }
0x77: {  	_ =	shalt  }
0x78: {  	_ =	shalt  }
0x79: {  	_ =	shalt  }
0x7a: {  	_ =	shalt  }
0x7b: {  	_ =	shalt  }
0x7c: {  	_ =	shalt  }
0x7d: {  	_ =	shalt  }
0x7e: {  	_ =	shalt  }
0x7f: {  	_ =	shalt  }
0x80: {  	_ =	shalt  }
0x81: {  	_ =	shalt  }
0x82: {  	_ =	shalt  }
0x83: {  	_ =	shalt  }
0x84: {  	_ =	shalt  }
0x85: {  	_ =	shalt  }
0x86: {  	_ =	shalt  }
0x87: {  	_ =	shalt  }
.Lfunc_end0:
.L_simem_size_0:
called_computation_lowered:
.L_overlay_start_0:
0x88: {  	s2 =	sld [smem:$0x3FD9]  }
0x89: {  	s3 =	sld [smem:$0x3FFE];
	_ =	sdelay $0x1  }
0x8a: {  	s1 =	srdreg.scid  }
0x8b: {  	s0 =	sand.u32 $0x1, s1  }
0x8c: {  	s17 =	sshll.u32 s0, $0xA;
	s2 =	sadd.s32 s3, s2  }
0x8d: {  	s2 =	sadd.s32 s2, s17  }
0x8e: {  	[smem:$0x3FC6] =	sst s2  }
0x8f: {  	_ = 	snop  }
0x90: {  	s2 =	sld [smem:$0x3FC8]  }
0x91: {  	s18 =	sld [smem:$0x3FD0];
	(tm) =	ssettm $0x1  }
0x92: {  	s4 =	sld [smem:$0x3FFB];
	_ =	sdelay $0x3  }
0x93: {  	_ =	strace s4  }
0x94: {  	s4 =	sld [smem:$0x3FFC];
	_ =	sdelay $0x3  }
0x95: {  	_ =	strace s4  }
0x96: {  	s4 =	sld [smem:$0x3FFD];
	_ =	sdelay $0x3  }
0x97: {  	_ =	strace s4  }
0x98: {  	_ =	strace $0x8FFFFFFF  }
0x99: {  	s19 =	sld [smem:$0x3FDB];
	_ =	sdelay $0x1  }
0x9a: {  	s5 =	simm.s32 $_scs_section_size  }
0x9b: {  	s6 =	simm.s32 $_size__tile_overlayer_lowered;
	s7 =	simm.s32 $_tile_overlayer_lowered  }
0x9c: {  	s22 =	simm.s32 $0x1BFF;
	s21 =	sshll.u32 s7, $0x1;
	s4 =	sadd.s32 s5, s19  }
0x9d: {  	s8 =	simm.s32 $0x0;
	s20 =	sshll.u32 s6, $0x1;
	s6 =	sadd.s32 s21, s4  }
0x9e: {  	[timem:s8], [sflag:s22] =	dma.local [hbm:s6], s20  }
0x9f: {  	_ =	swait.ge [sflag:s22], s20  }
0xa0: {  	s5 =	ssub.s32 $0x0, s20;
	[sflag:s22] =	ssyncset.done $0x0  }
0xa1: {  	[sflag:s22] =	ssyncadd.s32 s5;
	_ =	sdelay $0x1  }
0xa2: {  	s23 =	simm.s32 $0x1B8B  }
0xa3: {  	_ =	swait.ge [sflag:s23], $0x1  }
0xa4: {  	[sflag:s23] =	ssyncset.done $0x0  }
0xa5: {  	s25 =	simm.s32 $0x1B8E;
	s24 =	sld [smem:$0x3FFE];
	[sflag:s23] =	ssyncadd.s32 $0xFFFFFFFF  }
0xa6: {  	s26 =	simm.s32 $execute0_lowered;
	[smem:$0x3FD2] =	sst s25  }
0xa7: {  	s6 =	sshll.u32 s26, $0x1;
	_ =	strace $0x80000046;
	[dreg:$0x1] =	wrdreg $0xFFFFFFFF  }
0xa8: {  	s28 =	simm.s32 $_size_execute0_lowered;
	s4 =	sadd.s32 s4, s6;
	[dreg:$0x0] =	wrdreg $0x0  }
0xa9: {  	s6 =	sshll.u32 s28, $0x1;
	[dreg:$0x2] =	wrdreg s4  }
0xaa: {  	[dreg:$0x3] =	wrdreg s6  }
0xab: {  	[dreg:$0x4] =	wrdreg $0xC0  }
0xac: {  	_ =	task [dreg:s8], $0x5FFFF  }
0xad: {  	[dreg:$0x1] =	wrdreg $0xFFFFFFFF  }
0xae: {  	[dreg:$0x0] =	wrdreg $0x60  }
0xaf: {  	[dreg:$0x2] =	wrdreg s24  }
0xb0: {  	[dreg:$0x3] =	wrdreg s2  }
0xb1: {  	[dreg:$0x4] =	wrdreg s18  }
0xb2: {  	[dreg:$0x5] =	wrdreg $0x9  }
0xb3: {  	_ =	task.clear_ibuf [dreg:s8], $0x6FFFF;
	_ =	strace $0x90000046  }
0xb4: {  	s29 =	simm.s32 $0x9;
	_ =	strace $0x80000048  }
0xb5: {  	_ =	swait.ge [sflag:s29], $0x1  }
0xb6: {  	[sflag:s29] =	ssyncadd.s32 $0xFFFFFFFF  }
0xb7: {  	_ =	strace $0x90000048  }
0xb8: {  	_ =	sfence  }
0xb9: {  	s30 =	sld [smem:$0x0];
	_ =	sdelay $0x2  }
0xba: {  	s31 =	sshll.u32 s1, $0xD;
	s1 =	sshrl.u32 s1, $0x2  }
0xbb: {  	s3 =	sand.u32 $0x4000, s31;
	s1 =	sadd.s32 s1, s30  }
0xbc: {  	s0 =	sor.u32 s3, s0;
	s1 =	sshll.u32 s1, $0x11  }
0xbd: {  	s0 =	sor.u32 s1, s0  }
0xbe: {  	s0 =	sadd.s32 $0x8F2B, s0  }
0xbf: {  	[sflag:s0] =	ssyncadd.remote.s32 $0x1  }
0xc0: {  	_ =	sfence.sel $0xFFFF  }
0xc1: {  	[dreg:$0x0] =	wrdreg $0xFFFFFFFF;
	(pc) =	sbr.abs _section_cstart, $3  }
0xc2: {  	[dreg:$0x1] =	wrdreg $0xFFFFFFFF  }
0xc3: {  	_ =	task.clear_ibuf [dreg:s8], $0x2FFFF;
	_ =	strace $0x9FFFFFFF  }
0xc4: {  	(tm) =	ssettm $0x7FFFFFFF  }
0xc5: {  	_ =	shalt  }
tec
execute0_lowered:
.L_overlay_start_1:
0x0: {  	(tag) =	ssettag $0x1  }
0x1: {  	s5 =	rddreg [dreg:$0x0]  }
0x2: {  	s1 =	rddreg [dreg:$0x1]  }
0x3: {  	s4 =	rddreg [dreg:$0x2]  }
0x4: {  	s0 =	rddreg [dreg:$0x3];
	s3 =	simm.s32 $0x0;
	s6 =	srdreg.scid  }
0x5: {  	s2 =	stileid.u32;
	[smem:$0x7FF] =	sst s3  }
0x6: {  	s6 =	sand.u32 $0x1, s6;
	s7 =	sshll.u32 s2, $0xF;
	s8 =	sshll.u32 s2, $0x8  }
0x7: {  	s9 =	sshll.u32 s2, $0x13;
	_ =	strace $0x80000047;
	s10 =	sshll.u32 s6, $0x12  }
0x8: {  	s11 =	sshll.u32 s6, $0x7;
	s12 =	sadd.s32 s9, s4;
	s6 =	ssub.s32 $0x2, s6  }
0x9: {  	s9 =	sor.u32 s9, s10;
	s8 =	sor.u32 s11, s8;
	s10 =	sadd.s32 s10, s12  }
0xa: {  	s29 =	sshrl.u32 s6, $0x1;
	s11 =	simm.s32 $0x1;
	s12 =	simm.s32 $0x0  }
0xb: {  	s4 =	sadd.s32 s9, s4;
	s7 =	sor.u32 s8, s7;
	[dreg:$0x4] =	wrdreg s10  }
0xc: {  	s6 =	ssub.s32 s6, s29;
	s8 =	simm.s32 $0x2;
	s23 =	sadd.s32 $0xE0, s4  }
0xd: {  	s9 =	simm.s32 $0x80;
	s24 =	sadd.s32 $0xC0, s4;
	[dreg:$0xb] =	wrdreg s23  }
0xe: {  	s10 =	simm.s32 $0x400;
	s25 =	sadd.s32 $0xA0, s4;
	[dreg:$0xa] =	wrdreg s24  }
0xf: {  	s7 =	sand.u32 $0x60380, s7;
	s26 =	sadd.s32 $0x80, s4;
	[dreg:$0x9] =	wrdreg s25  }
0x10: {  	s28 =	sadd.s32 $0x60, s4;
	s30 =	sadd.s32 $0x40, s4;
	[dreg:$0x8] =	wrdreg s26  }
0x11: {  	s31 =	sadd.s32 $0x20, s4;
	s7 =	sshrl.u32 s7, $0x3;
	[dreg:$0x7] =	wrdreg s28  }
0x12: {  	s6 =	smax.u32 s6, $0x1;
	[dreg:$0x6] =	wrdreg s30;
	s5 =	sadd.s32 s7, s5  }
0x13: {  	[dreg:$0x5] =	wrdreg s31;
	s7 =	simm.s32 $0x4000;
	s5 =	sadd.s32 $0x400, s5  }
.LBB2_1:
0x14: {  	[tilespmem:s7], [sflag:$0x2] =	stream.linear.gather [hbm4b:s1+s3], $0xE00, $0x38;
	[tilespmem:$0x5000] =	vst v63  }
0x15: {  	_ =	swait.ge [sflag:s8], $0xE00  }
0x16: {  	[sflag:s8] =	ssyncset.done $0x0  }
0x17: {  	[sflag:s8] =	ssyncadd.s32 $0xFFFFF200  }
0x18: {  	[tilespmem:s3], [sflag:$0x2] =	stream.strided.gather [hbm4b:s5+s9], $0x4000, s10, s9, $0x38;
	[tilespmem:$0x5000] =	vst v63  }
0x19: {  	p0 =	por $0x1, $0x1;
	_ =	swait.ge [sflag:s8], $0x4000  }
0x1a: {  	p0 =	por p0, p0;
	[sflag:s8] =	ssyncset.done $0x0  }
0x1b: {  	s13 =	simm.s32 @!p0 $0x1;
	[sflag:s8] =	ssyncadd.s32 $0xFFFFC000  }
0x1c: {  	v0 =	vld [tilespmem:s3+$0x0];
	_ =	swait.ge @!p0 [sflag:s13], $0x80  }
0x1d: {  	[sflag:s13] =	ssyncset.done @!p0 $0x0  }
0x1e: {  	[sflag:s13] =	ssyncadd.s32 @!p0 $0xFFFFFF80  }
0x1f: {  	_ =	swait.ge @!p0 [sflag:s13], $0x80  }
0x20: {  	[sflag:s13] =	ssyncset.done @!p0 $0x0  }
0x21: {  	[sflag:s13] =	ssyncadd.s32 @!p0 $0xFFFFFF80  }
0x22: {  	_ =	swait.ge @!p0 [sflag:s13], $0x80  }
0x23: {  	[sflag:s13] =	ssyncset.done @!p0 $0x0  }
0x24: {  	[sflag:s13] =	ssyncadd.s32 @!p0 $0xFFFFFF80  }
0x25: {  	_ =	swait.ge @!p0 [sflag:s13], $0x80  }
0x26: {  	[sflag:s13] =	ssyncset.done @!p0 $0x0  }
0x27: {  	[sflag:s13] =	ssyncadd.s32 @!p0 $0xFFFFFF80  }
0x28: {  	_ =	swait.ge @!p0 [sflag:s13], $0x80  }
0x29: {  	[sflag:s13] =	ssyncset.done @!p0 $0x0  }
0x2a: {  	[sflag:s13] =	ssyncadd.s32 @!p0 $0xFFFFFF80  }
0x2b: {  	_ =	swait.ge @!p0 [sflag:s13], $0x80  }
0x2c: {  	[sflag:s13] =	ssyncset.done @!p0 $0x0  }
0x2d: {  	[sflag:s13] =	ssyncadd.s32 @!p0 $0xFFFFFF80  }
0x2e: {  	_ =	swait.ge @!p0 [sflag:s13], $0x80  }
0x2f: {  	[sflag:s13] =	ssyncset.done @!p0 $0x0  }
0x30: {  	[sflag:s13] =	ssyncadd.s32 @!p0 $0xFFFFFF80  }
0x31: {  	_ =	swait.ge @!p0 [sflag:s13], $0x80  }
0x32: {  	[sflag:s13] =	ssyncset.done @!p0 $0x0  }
0x33: {  	[sflag:s13] =	ssyncadd.s32 @!p0 $0xFFFFFF80  }
0x34: {  	_ =	swait.ge @!p0 [sflag:s13], $0x80  }
0x35: {  	[sflag:s13] =	ssyncset.done @!p0 $0x0  }
0x36: {  	[sflag:s13] =	ssyncadd.s32 @!p0 $0xFFFFFF80  }
0x37: {  	_ =	swait.ge @!p0 [sflag:s13], $0x80  }
0x38: {  	[sflag:s13] =	ssyncset.done @!p0 $0x0  }
0x39: {  	[sflag:s13] =	ssyncadd.s32 @!p0 $0xFFFFFF80  }
0x3a: {  	_ =	swait.ge @!p0 [sflag:s13], $0x80  }
0x3b: {  	[sflag:s13] =	ssyncset.done @!p0 $0x0  }
0x3c: {  	v0 =	vshll.u32 v0, $0x9;
	[sflag:s13] =	ssyncadd.s32 @!p0 $0xFFFFFF80  }
0x3d: {  	v0 =	vshra.s32 v0, $0x2;
	_ =	swait.ge @!p0 [sflag:s13], $0x80  }
0x3e: {  	v0 =	vadd.s32 $0x4000, v0;
	[sflag:s13] =	ssyncset.done @!p0 $0x0  }
0x3f: {  	(v2sf) =	vpush v0, $0x0;
	[sflag:s13] =	ssyncadd.s32 @!p0 $0xFFFFFF80  }
0x40: {  	_ =	swait.ge @!p0 [sflag:s13], $0x80  }
0x41: {  	(v2sf) =	vpush v0, $0x1;
	[sflag:s13] =	ssyncset.done @!p0 $0x0  }
0x42: {  	[sflag:s13] =	ssyncadd.s32 @!p0 $0xFFFFFF80;
	(v2sf) =	vpush v0, $0x2  }
0x43: {  	_ =	swait.ge @!p0 [sflag:s13], $0x80  }
0x44: {  	[sflag:s13] =	ssyncset.done @!p0 $0x0  }
0x45: {  	(v2sf) =	vpush v0, $0x3;
	[sflag:s13] =	ssyncadd.s32 @!p0 $0xFFFFFF80  }
0x46: {  	_ =	swait.ge @!p0 [sflag:s13], $0x80  }
0x47: {  	(v2sf) =	vpush v0, $0x4  }
0x48: {  	[sflag:s13] =	ssyncset.done @!p0 $0x0  }
0x49: {  	[sflag:s13] =	ssyncadd.s32 @!p0 $0xFFFFFF80;
	(v2sf) =	vpush v0, $0x5  }
0x4a: {  	_ =	swait.ge @!p0 [sflag:s13], $0x80  }
0x4b: {  	(v2sf) =	vpush v0, $0x6;
	_ =	sdelay $0x1  }
0x4c: {  	s17 =	sadd.s32 $0x0, s4;
	s14 =	rddreg [dreg:$0x4];
	[sflag:s13] =	ssyncset.done @!p0 $0x0;
	(v2sf) =	vpush v0, $0x7  }
0x4d: {  	[sflag:s13] =	ssyncadd.s32 @!p0 $0xFFFFFF80;
	s14 =	sadd.s32 $0x0, s14;
	s16 =	spop (v2sf)  }
0x4e: {  	(v2sf) =	vpush v0, $0x8;
	[hbm4b:s14+s3] =	stream.linear.scatter [tilespmem:s16], [sflag:$0x1], $0x80, $0x38;
	[tilespmem:$0x5000] =	vst v63  }
0x4f: {  	s18 =	sadd.s32 $0x10, s17;
	s15 =	rddreg [dreg:$0x5];
	s19 =	spop (v2sf)  }
0x50: {  	(v2sf) =	vpush v0, $0x9;
	[hbm4b:s18+s3] =	stream.linear.scatter [tilespmem:s19], [sflag:$0x1], $0x80, $0x38;
	[tilespmem:$0x5000] =	vst v63  }
0x51: {  	s21 =	sadd.s32 $0x0, s15;
	s22 =	spop (v2sf)  }
0x52: {  	(v2sf) =	vpush v0, $0xA;
	[hbm4b:s21+s3] =	stream.linear.scatter [tilespmem:s22], [sflag:$0x1], $0x80, $0x38;
	[tilespmem:$0x5000] =	vst v63  }
0x53: {  	s23 =	sadd.s32 $0x30, s17;
	s20 =	rddreg [dreg:$0x6];
	s24 =	spop (v2sf)  }
0x54: {  	(v2sf) =	vpush v0, $0xB;
	[hbm4b:s23+s3] =	stream.linear.scatter [tilespmem:s24], [sflag:$0x1], $0x80, $0x38;
	[tilespmem:$0x5000] =	vst v63  }
0x55: {  	s13 =	sadd.s32 $0x0, s20;
	s26 =	spop (v2sf)  }
0x56: {  	(v2sf) =	vpush v0, $0xC;
	[hbm4b:s13+s3] =	stream.linear.scatter [tilespmem:s26], [sflag:$0x1], $0x80, $0x38;
	[tilespmem:$0x5000] =	vst v63  }
0x57: {  	s28 =	sadd.s32 $0x50, s17;
	s25 =	rddreg [dreg:$0x7];
	s29 =	spop (v2sf)  }
0x58: {  	(v2sf) =	vpush v0, $0xD;
	[hbm4b:s28+s3] =	stream.linear.scatter [tilespmem:s29], [sflag:$0x1], $0x80, $0x38;
	[tilespmem:$0x5000] =	vst v63  }
0x59: {  	p6 =	por $0x1, $0x1;
	s14 =	sadd.s32 $0x0, s25;
	s31 =	spop (v2sf)  }
0x5a: {  	(v2sf) =	vpush v0, $0xE;
	[hbm4b:s14+s3] =	stream.linear.scatter [tilespmem:s31], [sflag:$0x1], $0x80, $0x38;
	[tilespmem:$0x5000] =	vst v63  }
0x5b: {  	s30 =	rddreg [dreg:$0x8];
	s15 =	sadd.s32 $0x70, s17;
	s16 =	spop (v2sf)  }
0x5c: {  	(v2sf) =	vpush v0, $0xF;
	[hbm4b:s15+s3] =	stream.linear.scatter [tilespmem:s16], [sflag:$0x1], $0x80, $0x38;
	[tilespmem:$0x5000] =	vst v63  }
0x5d: {  	s20 =	sadd.s32 $0x90, s17;
	s13 =	sadd.s32 $0x0, s30;
	s19 =	spop (v2sf)  }
0x5e: {  	[hbm4b:s13+s3] =	stream.linear.scatter [tilespmem:s19], [sflag:$0x1], $0x80, $0x38;
	[tilespmem:$0x5000] =	vst v63  }
0x5f: {  	p0 =	por p6, p6;
	s18 =	rddreg [dreg:$0x9];
	s21 =	spop (v2sf)  }
0x60: {  	[hbm4b:s20+s3] =	stream.linear.scatter [tilespmem:s21], [sflag:$0x1], $0x80, $0x38;
	[tilespmem:$0x5000] =	vst v63  }
0x61: {  	s22 =	rddreg [dreg:$0xa];
	s14 =	sadd.s32 $0x0, s18;
	s23 =	spop (v2sf)  }
0x62: {  	[hbm4b:s14+s3] =	stream.linear.scatter [tilespmem:s23], [sflag:$0x1], $0x80, $0x38;
	[tilespmem:$0x5000] =	vst v63  }
0x63: {  	s24 =	sadd.s32 $0xB0, s17;
	s26 =	rddreg [dreg:$0xb];
	s25 =	spop (v2sf)  }
0x64: {  	[hbm4b:s24+s3] =	stream.linear.scatter [tilespmem:s25], [sflag:$0x1], $0x80, $0x38;
	[tilespmem:$0x5000] =	vst v63  }
0x65: {  	s29 =	sadd.s32 $0xD0, s17;
	s13 =	sadd.s32 $0x0, s22;
	s28 =	spop (v2sf)  }
0x66: {  	[hbm4b:s13+s3] =	stream.linear.scatter [tilespmem:s28], [sflag:$0x1], $0x80, $0x38;
	[tilespmem:$0x5000] =	vst v63  }
0x67: {  	s17 =	sadd.s32 $0xF0, s17;
	s15 =	simm.s32 $0x200;
	s30 =	spop (v2sf)  }
0x68: {  	[hbm4b:s29+s3] =	stream.linear.scatter [tilespmem:s30], [sflag:$0x1], $0x80, $0x38;
	[tilespmem:$0x5000] =	vst v63  }
0x69: {  	s16 =	simm.s32 $0x2;
	s14 =	sadd.s32 $0x0, s26;
	s31 =	spop (v2sf)  }
0x6a: {  	[hbm4b:s14+s3] =	stream.linear.scatter [tilespmem:s31], [sflag:$0x1], $0x80, $0x38;
	[tilespmem:$0x5000] =	vst v63  }
0x6b: {  	s13 =	simm.s32 $0x100;
	s18 =	spop (v2sf);
	s14 =	simm.s32 $0x10  }
.LBB2_2:
0x6c: {  	[hbm4b:s17+s3] =	stream.linear.scatter [tilespmem:s18], [sflag:$0x1], $0x80, $0x38;
	[tilespmem:$0x5000] =	vst v63  }
0x6d: {  	s18 =	simm.s32 @!p0 $0x1  }
0x6e: {  	v0 =	vld [tilespmem:s14+$0x0];
	_ =	swait.ge @!p0 [sflag:s18], $0x80  }
0x6f: {  	[sflag:s18] =	ssyncset.done @!p0 $0x0  }
0x70: {  	[sflag:s18] =	ssyncadd.s32 @!p0 $0xFFFFFF80  }
0x71: {  	_ =	swait.ge @!p0 [sflag:s18], $0x80  }
0x72: {  	[sflag:s18] =	ssyncset.done @!p0 $0x0  }
0x73: {  	[sflag:s18] =	ssyncadd.s32 @!p0 $0xFFFFFF80  }
0x74: {  	_ =	swait.ge @!p0 [sflag:s18], $0x80  }
0x75: {  	[sflag:s18] =	ssyncset.done @!p0 $0x0  }
0x76: {  	[sflag:s18] =	ssyncadd.s32 @!p0 $0xFFFFFF80  }
0x77: {  	_ =	swait.ge @!p0 [sflag:s18], $0x80  }
0x78: {  	[sflag:s18] =	ssyncset.done @!p0 $0x0  }
0x79: {  	[sflag:s18] =	ssyncadd.s32 @!p0 $0xFFFFFF80  }
0x7a: {  	_ =	swait.ge @!p0 [sflag:s18], $0x80  }
0x7b: {  	[sflag:s18] =	ssyncset.done @!p0 $0x0  }
0x7c: {  	[sflag:s18] =	ssyncadd.s32 @!p0 $0xFFFFFF80  }
0x7d: {  	_ =	swait.ge @!p0 [sflag:s18], $0x80  }
0x7e: {  	[sflag:s18] =	ssyncset.done @!p0 $0x0  }
0x7f: {  	[sflag:s18] =	ssyncadd.s32 @!p0 $0xFFFFFF80  }
0x80: {  	_ =	swait.ge @!p0 [sflag:s18], $0x80  }
0x81: {  	[sflag:s18] =	ssyncset.done @!p0 $0x0  }
0x82: {  	[sflag:s18] =	ssyncadd.s32 @!p0 $0xFFFFFF80  }
0x83: {  	_ =	swait.ge @!p0 [sflag:s18], $0x80  }
0x84: {  	[sflag:s18] =	ssyncset.done @!p0 $0x0  }
0x85: {  	[sflag:s18] =	ssyncadd.s32 @!p0 $0xFFFFFF80  }
0x86: {  	_ =	swait.ge @!p0 [sflag:s18], $0x80  }
0x87: {  	[sflag:s18] =	ssyncset.done @!p0 $0x0  }
0x88: {  	[sflag:s18] =	ssyncadd.s32 @!p0 $0xFFFFFF80  }
0x89: {  	_ =	swait.ge @!p0 [sflag:s18], $0x80  }
0x8a: {  	[sflag:s18] =	ssyncset.done @!p0 $0x0  }
0x8b: {  	[sflag:s18] =	ssyncadd.s32 @!p0 $0xFFFFFF80  }
0x8c: {  	_ =	swait.ge @!p0 [sflag:s18], $0x80  }
0x8d: {  	v0 =	vshll.u32 v0, $0x9;
	[sflag:s18] =	ssyncset.done @!p0 $0x0  }
0x8e: {  	v0 =	vshra.s32 v0, $0x2;
	[sflag:s18] =	ssyncadd.s32 @!p0 $0xFFFFFF80  }
0x8f: {  	v0 =	vadd.s32 $0x4000, v0;
	_ =	swait.ge @!p0 [sflag:s18], $0x80  }
0x90: {  	(v2sf) =	vpush v0, $0x0;
	[sflag:s18] =	ssyncset.done @!p0 $0x0  }
0x91: {  	[sflag:s18] =	ssyncadd.s32 @!p0 $0xFFFFFF80  }
0x92: {  	_ =	swait.ge @!p0 [sflag:s18], $0x80  }
0x93: {  	(v2sf) =	vpush v0, $0x1;
	[sflag:s18] =	ssyncset.done @!p0 $0x0  }
0x94: {  	[sflag:s18] =	ssyncadd.s32 @!p0 $0xFFFFFF80;
	(v2sf) =	vpush v0, $0x2  }
0x95: {  	_ =	swait.ge @!p0 [sflag:s18], $0x80  }
0x96: {  	[sflag:s18] =	ssyncset.done @!p0 $0x0  }
0x97: {  	(v2sf) =	vpush v0, $0x3;
	[sflag:s18] =	ssyncadd.s32 @!p0 $0xFFFFFF80  }
0x98: {  	_ =	swait.ge @!p0 [sflag:s18], $0x80  }
0x99: {  	(v2sf) =	vpush v0, $0x4  }
0x9a: {  	[sflag:s18] =	ssyncset.done @!p0 $0x0  }
0x9b: {  	[sflag:s18] =	ssyncadd.s32 @!p0 $0xFFFFFF80;
	(v2sf) =	vpush v0, $0x5  }
0x9c: {  	_ =	swait.ge @!p0 [sflag:s18], $0x80  }
0x9d: {  	(v2sf) =	vpush v0, $0x6  }
0x9e: {  	s17 =	smov.u32 s13  }
0x9f: {  	s20 =	rddreg [dreg:$0x4];
	[sflag:s18] =	ssyncset.done @!p0 $0x0;
	s23 =	spop (v2sf);
	(v2sf) =	vpush v0, $0x7  }
0xa0: {  	s19 =	sadd.s32 s17, s4;
	[sflag:s18] =	ssyncadd.s32 @!p0 $0xFFFFFF80;
	s26 =	sadd.s32 s17, s20  }
0xa1: {  	[hbm4b:s26+s3] =	stream.linear.scatter [tilespmem:s23], [sflag:$0x1], $0x80, $0x38;
	(v2sf) =	vpush v0, $0x8;
	[tilespmem:$0x5000] =	vst v63  }
0xa2: {  	s28 =	sadd.s32 $0x10, s19;
	s21 =	rddreg [dreg:$0x5];
	s24 =	spop (v2sf)  }
0xa3: {  	(v2sf) =	vpush v0, $0x9;
	[hbm4b:s28+s3] =	stream.linear.scatter [tilespmem:s24], [sflag:$0x1], $0x80, $0x38;
	[tilespmem:$0x5000] =	vst v63  }
0xa4: {  	s13 =	smov.u32 s15;
	s29 =	sadd.s32 s17, s21;
	s30 =	spop (v2sf)  }
0xa5: {  	(v2sf) =	vpush v0, $0xA;
	[hbm4b:s29+s3] =	stream.linear.scatter [tilespmem:s30], [sflag:$0x1], $0x80, $0x38;
	[tilespmem:$0x5000] =	vst v63  }
0xa6: {  	s31 =	sadd.s32 $0x30, s19;
	s22 =	rddreg [dreg:$0x6];
	s25 =	spop (v2sf)  }
0xa7: {  	(v2sf) =	vpush v0, $0xB;
	[hbm4b:s31+s3] =	stream.linear.scatter [tilespmem:s25], [sflag:$0x1], $0x80, $0x38;
	[tilespmem:$0x5000] =	vst v63  }
0xa8: {  	p2 =	slt.u32 s16, $0x4;
	s25 =	sadd.s32 s17, s22;
	s26 =	spop (v2sf)  }
0xa9: {  	(v2sf) =	vpush v0, $0xC;
	[hbm4b:s25+s3] =	stream.linear.scatter [tilespmem:s26], [sflag:$0x1], $0x80, $0x38;
	[tilespmem:$0x5000] =	vst v63  }
0xaa: {  	s20 =	rddreg [dreg:$0x7];
	s28 =	sadd.s32 $0x50, s19;
	s29 =	spop (v2sf)  }
0xab: {  	(v2sf) =	vpush v0, $0xD;
	[hbm4b:s28+s3] =	stream.linear.scatter [tilespmem:s29], [sflag:$0x1], $0x80, $0x38;
	[tilespmem:$0x5000] =	vst v63  }
0xac: {  	s15 =	sadd.s32 $0x100, s15;
	s30 =	sadd.s32 s17, s20;
	s31 =	spop (v2sf)  }
0xad: {  	(v2sf) =	vpush v0, $0xE;
	[hbm4b:s30+s3] =	stream.linear.scatter [tilespmem:s31], [sflag:$0x1], $0x80, $0x38;
	[tilespmem:$0x5000] =	vst v63  }
0xae: {  	s23 =	rddreg [dreg:$0x8];
	s25 =	sadd.s32 $0x70, s19;
	s26 =	spop (v2sf)  }
0xaf: {  	(v2sf) =	vpush v0, $0xF;
	[hbm4b:s25+s3] =	stream.linear.scatter [tilespmem:s26], [sflag:$0x1], $0x80, $0x38;
	[tilespmem:$0x5000] =	vst v63  }
0xb0: {  	s16 =	sadd.s32 $0x1, s16;
	s28 =	sadd.s32 s17, s23;
	s29 =	spop (v2sf)  }
0xb1: {  	[hbm4b:s28+s3] =	stream.linear.scatter [tilespmem:s29], [sflag:$0x1], $0x80, $0x38;
	[tilespmem:$0x5000] =	vst v63  }
0xb2: {  	s21 =	rddreg [dreg:$0x9];
	s30 =	sadd.s32 $0x90, s19;
	s31 =	spop (v2sf)  }
0xb3: {  	[hbm4b:s30+s3] =	stream.linear.scatter [tilespmem:s31], [sflag:$0x1], $0x80, $0x38;
	[tilespmem:$0x5000] =	vst v63  }
0xb4: {  	p1 =	sne.s32 s15, $0x40000;
	s20 =	sadd.s32 s17, s21;
	s21 =	spop (v2sf)  }
0xb5: {  	[hbm4b:s20+s3] =	stream.linear.scatter [tilespmem:s21], [sflag:$0x1], $0x80, $0x38;
	[tilespmem:$0x5000] =	vst v63  }
0xb6: {  	s24 =	rddreg [dreg:$0xa];
	s23 =	sadd.s32 $0xB0, s19;
	s25 =	spop (v2sf)  }
0xb7: {  	[hbm4b:s23+s3] =	stream.linear.scatter [tilespmem:s25], [sflag:$0x1], $0x80, $0x38;
	[tilespmem:$0x5000] =	vst v63  }
0xb8: {  	s22 =	rddreg [dreg:$0xb];
	s26 =	sadd.s32 s17, s24;
	s28 =	spop (v2sf)  }
0xb9: {  	[hbm4b:s26+s3] =	stream.linear.scatter [tilespmem:s28], [sflag:$0x1], $0x80, $0x38;
	[tilespmem:$0x5000] =	vst v63  }
.Ltmp0:
0xba: {  	s29 =	sadd.s32 $0xD0, s19;
	s30 =	spop (v2sf);
	(pc) =	sbr.rel @p1 .LBB2_2-.Ltmp0, $4  }
0xbb: {  	[hbm4b:s29+s3] =	stream.linear.scatter [tilespmem:s30], [sflag:$0x1], $0x80, $0x38;
	[tilespmem:$0x5000] =	vst v63  }
0xbc: {  	s14 =	sadd.s32 $0x10, s14;
	s17 =	sadd.s32 s17, s22;
	s31 =	spop (v2sf)  }
0xbd: {  	[hbm4b:s17+s3] =	stream.linear.scatter [tilespmem:s31], [sflag:$0x1], $0x80, $0x38;
	[tilespmem:$0x5000] =	vst v63  }
0xbe: {  	p0 =	por p2, p2;
	s17 =	sadd.s32 $0xF0, s19;
	s18 =	spop (v2sf)  }
0xbf: {  	[hbm4b:s17+s3] =	stream.linear.scatter [tilespmem:s18], [sflag:$0x1], $0x80, $0x38;
	[tilespmem:$0x5000] =	vst v63  }
0xc0: {  	s15 =	simm.s32 @!p0 $0x1  }
0xc1: {  	v0 =	vld [tilespmem:s14+$0x0];
	_ =	swait.ge @!p0 [sflag:s15], $0x80  }
0xc2: {  	[sflag:s15] =	ssyncset.done @!p0 $0x0  }
0xc3: {  	[sflag:s15] =	ssyncadd.s32 @!p0 $0xFFFFFF80  }
0xc4: {  	_ =	swait.ge @!p0 [sflag:s15], $0x80  }
0xc5: {  	[sflag:s15] =	ssyncset.done @!p0 $0x0  }
0xc6: {  	[sflag:s15] =	ssyncadd.s32 @!p0 $0xFFFFFF80  }
0xc7: {  	_ =	swait.ge @!p0 [sflag:s15], $0x80  }
0xc8: {  	[sflag:s15] =	ssyncset.done @!p0 $0x0  }
0xc9: {  	[sflag:s15] =	ssyncadd.s32 @!p0 $0xFFFFFF80  }
0xca: {  	_ =	swait.ge @!p0 [sflag:s15], $0x80  }
0xcb: {  	[sflag:s15] =	ssyncset.done @!p0 $0x0  }
0xcc: {  	[sflag:s15] =	ssyncadd.s32 @!p0 $0xFFFFFF80  }
0xcd: {  	_ =	swait.ge @!p0 [sflag:s15], $0x80  }
0xce: {  	[sflag:s15] =	ssyncset.done @!p0 $0x0  }
0xcf: {  	[sflag:s15] =	ssyncadd.s32 @!p0 $0xFFFFFF80  }
0xd0: {  	_ =	swait.ge @!p0 [sflag:s15], $0x80  }
0xd1: {  	[sflag:s15] =	ssyncset.done @!p0 $0x0  }
0xd2: {  	[sflag:s15] =	ssyncadd.s32 @!p0 $0xFFFFFF80  }
0xd3: {  	_ =	swait.ge @!p0 [sflag:s15], $0x80  }
0xd4: {  	[sflag:s15] =	ssyncset.done @!p0 $0x0  }
0xd5: {  	[sflag:s15] =	ssyncadd.s32 @!p0 $0xFFFFFF80  }
0xd6: {  	_ =	swait.ge @!p0 [sflag:s15], $0x80  }
0xd7: {  	[sflag:s15] =	ssyncset.done @!p0 $0x0  }
0xd8: {  	[sflag:s15] =	ssyncadd.s32 @!p0 $0xFFFFFF80  }
0xd9: {  	_ =	swait.ge @!p0 [sflag:s15], $0x80  }
0xda: {  	[sflag:s15] =	ssyncset.done @!p0 $0x0  }
0xdb: {  	[sflag:s15] =	ssyncadd.s32 @!p0 $0xFFFFFF80  }
0xdc: {  	_ =	swait.ge @!p0 [sflag:s15], $0x80  }
0xdd: {  	[sflag:s15] =	ssyncset.done @!p0 $0x0  }
0xde: {  	[sflag:s15] =	ssyncadd.s32 @!p0 $0xFFFFFF80  }
0xdf: {  	_ =	swait.ge @!p0 [sflag:s15], $0x80  }
0xe0: {  	[sflag:s15] =	ssyncset.done @!p0 $0x0  }
0xe1: {  	v0 =	vshll.u32 v0, $0x9;
	[sflag:s15] =	ssyncadd.s32 @!p0 $0xFFFFFF80  }
0xe2: {  	v0 =	vshra.s32 v0, $0x2;
	_ =	swait.ge @!p0 [sflag:s15], $0x80  }
0xe3: {  	v0 =	vadd.s32 $0x4000, v0;
	[sflag:s15] =	ssyncset.done @!p0 $0x0  }
0xe4: {  	(v2sf) =	vpush v0, $0x0;
	[sflag:s15] =	ssyncadd.s32 @!p0 $0xFFFFFF80  }
0xe5: {  	_ =	swait.ge @!p0 [sflag:s15], $0x80  }
0xe6: {  	(v2sf) =	vpush v0, $0x1;
	[sflag:s15] =	ssyncset.done @!p0 $0x0  }
0xe7: {  	[sflag:s15] =	ssyncadd.s32 @!p0 $0xFFFFFF80;
	(v2sf) =	vpush v0, $0x2  }
0xe8: {  	_ =	swait.ge @!p0 [sflag:s15], $0x80  }
0xe9: {  	[sflag:s15] =	ssyncset.done @!p0 $0x0  }
0xea: {  	(v2sf) =	vpush v0, $0x3;
	[sflag:s15] =	ssyncadd.s32 @!p0 $0xFFFFFF80  }
0xeb: {  	_ =	swait.ge @!p0 [sflag:s15], $0x80  }
0xec: {  	(v2sf) =	vpush v0, $0x4  }
0xed: {  	[sflag:s15] =	ssyncset.done @!p0 $0x0  }
0xee: {  	[sflag:s15] =	ssyncadd.s32 @!p0 $0xFFFFFF80;
	(v2sf) =	vpush v0, $0x5  }
0xef: {  	_ =	swait.ge @!p0 [sflag:s15], $0x80  }
0xf0: {  	(v2sf) =	vpush v0, $0x6;
	_ =	sdelay $0x1  }
0xf1: {  	s14 =	sadd.s32 s13, s4;
	s16 =	rddreg [dreg:$0x4];
	[sflag:s15] =	ssyncset.done @!p0 $0x0;
	(v2sf) =	vpush v0, $0x7  }
0xf2: {  	[sflag:s15] =	ssyncadd.s32 @!p0 $0xFFFFFF80;
	s28 =	sadd.s32 s13, s16;
	s26 =	spop (v2sf)  }
0xf3: {  	(v2sf) =	vpush v0, $0x8;
	[hbm4b:s28+s3] =	stream.linear.scatter [tilespmem:s26], [sflag:$0x1], $0x80, $0x38;
	[tilespmem:$0x5000] =	vst v63  }
0xf4: {  	s29 =	sadd.s32 $0x10, s14;
	s25 =	rddreg [dreg:$0x5];
	s30 =	spop (v2sf)  }
0xf5: {  	(v2sf) =	vpush v0, $0x9;
	[hbm4b:s29+s3] =	stream.linear.scatter [tilespmem:s30], [sflag:$0x1], $0x80, $0x38;
	[tilespmem:$0x5000] =	vst v63  }
0xf6: {  	s17 =	sadd.s32 s13, s25;
	s18 =	spop (v2sf)  }
0xf7: {  	(v2sf) =	vpush v0, $0xA;
	[hbm4b:s17+s3] =	stream.linear.scatter [tilespmem:s18], [sflag:$0x1], $0x80, $0x38;
	[tilespmem:$0x5000] =	vst v63  }
0xf8: {  	s19 =	sadd.s32 $0x30, s14;
	s31 =	rddreg [dreg:$0x6];
	s20 =	spop (v2sf)  }
0xf9: {  	(v2sf) =	vpush v0, $0xB;
	[hbm4b:s19+s3] =	stream.linear.scatter [tilespmem:s20], [sflag:$0x1], $0x80, $0x38;
	[tilespmem:$0x5000] =	vst v63  }
0xfa: {  	s15 =	sadd.s32 s13, s31;
	s22 =	spop (v2sf)  }
0xfb: {  	(v2sf) =	vpush v0, $0xC;
	[hbm4b:s15+s3] =	stream.linear.scatter [tilespmem:s22], [sflag:$0x1], $0x80, $0x38;
	[tilespmem:$0x5000] =	vst v63  }
0xfc: {  	s23 =	sadd.s32 $0x50, s14;
	s21 =	rddreg [dreg:$0x7];
	s24 =	spop (v2sf)  }
0xfd: {  	(v2sf) =	vpush v0, $0xD;
	[hbm4b:s23+s3] =	stream.linear.scatter [tilespmem:s24], [sflag:$0x1], $0x80, $0x38;
	[tilespmem:$0x5000] =	vst v63  }
0xfe: {  	s16 =	sadd.s32 s13, s21;
	s26 =	spop (v2sf)  }
0xff: {  	(v2sf) =	vpush v0, $0xE;
	[hbm4b:s16+s3] =	stream.linear.scatter [tilespmem:s26], [sflag:$0x1], $0x80, $0x38;
	[tilespmem:$0x5000] =	vst v63  }
0x100: {  	s25 =	rddreg [dreg:$0x8];
	s28 =	sadd.s32 $0x70, s14;
	s29 =	spop (v2sf)  }
0x101: {  	(v2sf) =	vpush v0, $0xF;
	[hbm4b:s28+s3] =	stream.linear.scatter [tilespmem:s29], [sflag:$0x1], $0x80, $0x38;
	[tilespmem:$0x5000] =	vst v63  }
0x102: {  	s15 =	sadd.s32 s13, s25;
	s31 =	spop (v2sf)  }
0x103: {  	[hbm4b:s15+s3] =	stream.linear.scatter [tilespmem:s31], [sflag:$0x1], $0x80, $0x38;
	[tilespmem:$0x5000] =	vst v63  }
0x104: {  	s30 =	rddreg [dreg:$0x9];
	s17 =	sadd.s32 $0x90, s14;
	s18 =	spop (v2sf)  }
0x105: {  	[hbm4b:s17+s3] =	stream.linear.scatter [tilespmem:s18], [sflag:$0x1], $0x80, $0x38;
	[tilespmem:$0x5000] =	vst v63  }
0x106: {  	s16 =	sadd.s32 s13, s30;
	s20 =	spop (v2sf)  }
0x107: {  	[hbm4b:s16+s3] =	stream.linear.scatter [tilespmem:s20], [sflag:$0x1], $0x80, $0x38;
	[tilespmem:$0x5000] =	vst v63  }
0x108: {  	s21 =	sadd.s32 $0xB0, s14;
	s19 =	rddreg [dreg:$0xa];
	s22 =	spop (v2sf)  }
0x109: {  	[hbm4b:s21+s3] =	stream.linear.scatter [tilespmem:s22], [sflag:$0x1], $0x80, $0x38;
	[tilespmem:$0x5000] =	vst v63  }
0x10a: {  	s15 =	sadd.s32 s13, s19;
	s24 =	spop (v2sf)  }
0x10b: {  	[hbm4b:s15+s3] =	stream.linear.scatter [tilespmem:s24], [sflag:$0x1], $0x80, $0x38;
	[tilespmem:$0x5000] =	vst v63  }
0x10c: {  	s25 =	sadd.s32 $0xD0, s14;
	s23 =	rddreg [dreg:$0xb];
	s26 =	spop (v2sf)  }
0x10d: {  	[hbm4b:s25+s3] =	stream.linear.scatter [tilespmem:s26], [sflag:$0x1], $0x80, $0x38;
	[tilespmem:$0x5000] =	vst v63  }
0x10e: {  	s28 =	sadd.s32 s13, s23;
	s29 =	spop (v2sf)  }
0x10f: {  	[hbm4b:s28+s3] =	stream.linear.scatter [tilespmem:s29], [sflag:$0x1], $0x80, $0x38;
	[tilespmem:$0x5000] =	vst v63  }
0x110: {  	s30 =	sadd.s32 $0xF0, s14;
	s31 =	spop (v2sf)  }
0x111: {  	[hbm4b:s30+s3] =	stream.linear.scatter [tilespmem:s31], [sflag:$0x1], $0x80, $0x38;
	[tilespmem:$0x5000] =	vst v63  }
0x112: {  	_ =	swait.ge [sflag:s11], $0x80  }
0x113: {  	[sflag:s11] =	ssyncset.done $0x0  }
0x114: {  	[sflag:s11] =	ssyncadd.s32 $0xFFFFFF80  }
0x115: {  	_ =	swait.ge [sflag:s11], $0x80  }
0x116: {  	[sflag:s11] =	ssyncset.done $0x0  }
0x117: {  	[sflag:s11] =	ssyncadd.s32 $0xFFFFFF80  }
0x118: {  	_ =	swait.ge [sflag:s11], $0x80  }
0x119: {  	[sflag:s11] =	ssyncset.done $0x0  }
0x11a: {  	[sflag:s11] =	ssyncadd.s32 $0xFFFFFF80  }
0x11b: {  	_ =	swait.ge [sflag:s11], $0x80  }
0x11c: {  	[sflag:s11] =	ssyncset.done $0x0  }
0x11d: {  	[sflag:s11] =	ssyncadd.s32 $0xFFFFFF80  }
0x11e: {  	_ =	swait.ge [sflag:s11], $0x80  }
0x11f: {  	[sflag:s11] =	ssyncset.done $0x0  }
0x120: {  	[sflag:s11] =	ssyncadd.s32 $0xFFFFFF80  }
0x121: {  	_ =	swait.ge [sflag:s11], $0x80  }
0x122: {  	[sflag:s11] =	ssyncset.done $0x0  }
0x123: {  	[sflag:s11] =	ssyncadd.s32 $0xFFFFFF80  }
0x124: {  	_ =	swait.ge [sflag:s11], $0x80  }
0x125: {  	[sflag:s11] =	ssyncset.done $0x0  }
0x126: {  	[sflag:s11] =	ssyncadd.s32 $0xFFFFFF80  }
0x127: {  	_ =	swait.ge [sflag:s11], $0x80  }
0x128: {  	[sflag:s11] =	ssyncset.done $0x0  }
0x129: {  	[sflag:s11] =	ssyncadd.s32 $0xFFFFFF80  }
0x12a: {  	_ =	swait.ge [sflag:s11], $0x80  }
0x12b: {  	[sflag:s11] =	ssyncset.done $0x0  }
0x12c: {  	[sflag:s11] =	ssyncadd.s32 $0xFFFFFF80  }
0x12d: {  	_ =	swait.ge [sflag:s11], $0x80  }
0x12e: {  	[sflag:s11] =	ssyncset.done $0x0  }
0x12f: {  	[sflag:s11] =	ssyncadd.s32 $0xFFFFFF80  }
0x130: {  	_ =	swait.ge [sflag:s11], $0x80  }
0x131: {  	[sflag:s11] =	ssyncset.done $0x0  }
0x132: {  	[sflag:s11] =	ssyncadd.s32 $0xFFFFFF80  }
0x133: {  	_ =	swait.ge [sflag:s11], $0x80  }
0x134: {  	[sflag:s11] =	ssyncset.done $0x0  }
0x135: {  	[sflag:s11] =	ssyncadd.s32 $0xFFFFFF80  }
0x136: {  	_ =	swait.ge [sflag:s11], $0x80  }
0x137: {  	[sflag:s11] =	ssyncset.done $0x0  }
0x138: {  	[sflag:s11] =	ssyncadd.s32 $0xFFFFFF80  }
0x139: {  	_ =	swait.ge [sflag:s11], $0x80  }
0x13a: {  	[sflag:s11] =	ssyncset.done $0x0  }
0x13b: {  	[sflag:s11] =	ssyncadd.s32 $0xFFFFFF80  }
0x13c: {  	_ =	swait.ge [sflag:s11], $0x80  }
0x13d: {  	[sflag:s11] =	ssyncset.done $0x0  }
0x13e: {  	[sflag:s11] =	ssyncadd.s32 $0xFFFFFF80  }
0x13f: {  	_ =	swait.ge [sflag:s11], $0x80  }
0x140: {  	[sflag:s11] =	ssyncset.done $0x0  }
0x141: {  	[sflag:s11] =	ssyncadd.s32 $0xFFFFFF80  }
0x142: {  	_ =	swait.ge [sflag:s11], $0x80  }
0x143: {  	[sflag:s11] =	ssyncset.done $0x0  }
0x144: {  	[sflag:s11] =	ssyncadd.s32 $0xFFFFFF80  }
0x145: {  	_ =	swait.ge [sflag:s11], $0x80  }
0x146: {  	[sflag:s11] =	ssyncset.done $0x0  }
0x147: {  	[sflag:s11] =	ssyncadd.s32 $0xFFFFFF80  }
0x148: {  	_ =	swait.ge [sflag:s11], $0x80  }
0x149: {  	[sflag:s11] =	ssyncset.done $0x0  }
0x14a: {  	[sflag:s11] =	ssyncadd.s32 $0xFFFFFF80  }
0x14b: {  	_ =	swait.ge [sflag:s11], $0x80  }
0x14c: {  	[sflag:s11] =	ssyncset.done $0x0  }
0x14d: {  	[sflag:s11] =	ssyncadd.s32 $0xFFFFFF80  }
0x14e: {  	_ =	swait.ge [sflag:s11], $0x80  }
0x14f: {  	[sflag:s11] =	ssyncset.done $0x0  }
0x150: {  	[sflag:s11] =	ssyncadd.s32 $0xFFFFFF80  }
0x151: {  	_ =	swait.ge [sflag:s11], $0x80  }
0x152: {  	[sflag:s11] =	ssyncset.done $0x0  }
0x153: {  	[sflag:s11] =	ssyncadd.s32 $0xFFFFFF80  }
0x154: {  	_ =	swait.ge [sflag:s11], $0x80  }
0x155: {  	[sflag:s11] =	ssyncset.done $0x0  }
0x156: {  	[sflag:s11] =	ssyncadd.s32 $0xFFFFFF80  }
0x157: {  	_ =	swait.ge [sflag:s11], $0x80  }
0x158: {  	[sflag:s11] =	ssyncset.done $0x0  }
0x159: {  	[sflag:s11] =	ssyncadd.s32 $0xFFFFFF80  }
0x15a: {  	_ =	swait.ge [sflag:s11], $0x80  }
0x15b: {  	[sflag:s11] =	ssyncset.done $0x0  }
0x15c: {  	[sflag:s11] =	ssyncadd.s32 $0xFFFFFF80  }
0x15d: {  	_ =	swait.ge [sflag:s11], $0x80  }
0x15e: {  	[sflag:s11] =	ssyncset.done $0x0  }
0x15f: {  	[sflag:s11] =	ssyncadd.s32 $0xFFFFFF80  }
0x160: {  	_ =	swait.ge [sflag:s11], $0x80  }
0x161: {  	[sflag:s11] =	ssyncset.done $0x0  }
0x162: {  	[sflag:s11] =	ssyncadd.s32 $0xFFFFFF80  }
0x163: {  	_ =	swait.ge [sflag:s11], $0x80  }
0x164: {  	[sflag:s11] =	ssyncset.done $0x0  }
0x165: {  	[sflag:s11] =	ssyncadd.s32 $0xFFFFFF80  }
0x166: {  	_ =	swait.ge [sflag:s11], $0x80  }
0x167: {  	[sflag:s11] =	ssyncset.done $0x0  }
0x168: {  	[sflag:s11] =	ssyncadd.s32 $0xFFFFFF80  }
0x169: {  	_ =	swait.ge [sflag:s11], $0x80  }
0x16a: {  	[sflag:s11] =	ssyncset.done $0x0  }
0x16b: {  	[sflag:s11] =	ssyncadd.s32 $0xFFFFFF80  }
0x16c: {  	_ =	swait.ge [sflag:s11], $0x80  }
0x16d: {  	[sflag:s11] =	ssyncset.done $0x0  }
0x16e: {  	[sflag:s11] =	ssyncadd.s32 $0xFFFFFF80  }
0x16f: {  	_ =	swait.ge [sflag:s11], $0x80  }
0x170: {  	[sflag:s11] =	ssyncset.done $0x0  }
0x171: {  	[sflag:s11] =	ssyncadd.s32 $0xFFFFFF80  }
0x172: {  	_ =	swait.ge [sflag:s11], $0x80  }
0x173: {  	[sflag:s11] =	ssyncset.done $0x0  }
0x174: {  	[sflag:s11] =	ssyncadd.s32 $0xFFFFFF80  }
0x175: {  	_ =	swait.ge [sflag:s11], $0x80  }
0x176: {  	[sflag:s11] =	ssyncset.done $0x0  }
0x177: {  	[sflag:s11] =	ssyncadd.s32 $0xFFFFFF80  }
0x178: {  	_ =	swait.ge [sflag:s11], $0x80  }
0x179: {  	[sflag:s11] =	ssyncset.done $0x0  }
0x17a: {  	[sflag:s11] =	ssyncadd.s32 $0xFFFFFF80  }
0x17b: {  	_ =	swait.ge [sflag:s11], $0x80  }
0x17c: {  	[sflag:s11] =	ssyncset.done $0x0  }
0x17d: {  	[sflag:s11] =	ssyncadd.s32 $0xFFFFFF80  }
0x17e: {  	_ =	swait.ge [sflag:s11], $0x80  }
0x17f: {  	[sflag:s11] =	ssyncset.done $0x0  }
0x180: {  	[sflag:s11] =	ssyncadd.s32 $0xFFFFFF80  }
0x181: {  	_ =	swait.ge [sflag:s11], $0x80  }
0x182: {  	[sflag:s11] =	ssyncset.done $0x0  }
0x183: {  	[sflag:s11] =	ssyncadd.s32 $0xFFFFFF80  }
0x184: {  	_ =	swait.ge [sflag:s11], $0x80  }
0x185: {  	[sflag:s11] =	ssyncset.done $0x0  }
0x186: {  	[sflag:s11] =	ssyncadd.s32 $0xFFFFFF80  }
0x187: {  	_ =	swait.ge [sflag:s11], $0x80  }
0x188: {  	[sflag:s11] =	ssyncset.done $0x0  }
0x189: {  	[sflag:s11] =	ssyncadd.s32 $0xFFFFFF80  }
0x18a: {  	_ =	swait.ge [sflag:s11], $0x80  }
0x18b: {  	[sflag:s11] =	ssyncset.done $0x0  }
0x18c: {  	[sflag:s11] =	ssyncadd.s32 $0xFFFFFF80  }
0x18d: {  	_ =	swait.ge [sflag:s11], $0x80  }
0x18e: {  	[sflag:s11] =	ssyncset.done $0x0  }
0x18f: {  	[sflag:s11] =	ssyncadd.s32 $0xFFFFFF80  }
0x190: {  	_ =	swait.ge [sflag:s11], $0x80  }
0x191: {  	[sflag:s11] =	ssyncset.done $0x0  }
0x192: {  	[sflag:s11] =	ssyncadd.s32 $0xFFFFFF80  }
0x193: {  	_ =	swait.ge [sflag:s11], $0x80  }
0x194: {  	[sflag:s11] =	ssyncset.done $0x0  }
0x195: {  	[sflag:s11] =	ssyncadd.s32 $0xFFFFFF80  }
0x196: {  	_ =	swait.ge [sflag:s11], $0x80  }
0x197: {  	[sflag:s11] =	ssyncset.done $0x0  }
0x198: {  	[sflag:s11] =	ssyncadd.s32 $0xFFFFFF80  }
0x199: {  	_ =	swait.ge [sflag:s11], $0x80  }
0x19a: {  	[sflag:s11] =	ssyncset.done $0x0  }
0x19b: {  	[sflag:s11] =	ssyncadd.s32 $0xFFFFFF80  }
0x19c: {  	_ =	swait.ge [sflag:s11], $0x80  }
0x19d: {  	[sflag:s11] =	ssyncset.done $0x0  }
0x19e: {  	[sflag:s11] =	ssyncadd.s32 $0xFFFFFF80  }
0x19f: {  	_ =	swait.ge [sflag:s11], $0x80  }
0x1a0: {  	[sflag:s11] =	ssyncset.done $0x0  }
0x1a1: {  	[sflag:s11] =	ssyncadd.s32 $0xFFFFFF80  }
0x1a2: {  	_ =	swait.ge [sflag:s11], $0x80  }
0x1a3: {  	[sflag:s11] =	ssyncset.done $0x0  }
0x1a4: {  	[sflag:s11] =	ssyncadd.s32 $0xFFFFFF80  }
0x1a5: {  	_ =	swait.ge [sflag:s11], $0x80  }
0x1a6: {  	[sflag:s11] =	ssyncset.done $0x0  }
0x1a7: {  	[sflag:s11] =	ssyncadd.s32 $0xFFFFFF80  }
0x1a8: {  	_ =	swait.ge [sflag:s11], $0x80  }
0x1a9: {  	[sflag:s11] =	ssyncset.done $0x0  }
0x1aa: {  	[sflag:s11] =	ssyncadd.s32 $0xFFFFFF80  }
0x1ab: {  	_ =	swait.ge [sflag:s11], $0x80  }
0x1ac: {  	[sflag:s11] =	ssyncset.done $0x0  }
0x1ad: {  	[sflag:s11] =	ssyncadd.s32 $0xFFFFFF80  }
0x1ae: {  	_ =	swait.ge [sflag:s11], $0x80  }
0x1af: {  	[sflag:s11] =	ssyncset.done $0x0  }
0x1b0: {  	[sflag:s11] =	ssyncadd.s32 $0xFFFFFF80  }
0x1b1: {  	_ =	swait.ge [sflag:s11], $0x80  }
0x1b2: {  	[sflag:s11] =	ssyncset.done $0x0  }
0x1b3: {  	[sflag:s11] =	ssyncadd.s32 $0xFFFFFF80  }
0x1b4: {  	_ =	swait.ge [sflag:s11], $0x80  }
0x1b5: {  	[sflag:s11] =	ssyncset.done $0x0  }
0x1b6: {  	[sflag:s11] =	ssyncadd.s32 $0xFFFFFF80  }
0x1b7: {  	_ =	swait.ge [sflag:s11], $0x80  }
0x1b8: {  	[sflag:s11] =	ssyncset.done $0x0  }
0x1b9: {  	[sflag:s11] =	ssyncadd.s32 $0xFFFFFF80  }
0x1ba: {  	_ =	swait.ge [sflag:s11], $0x80  }
0x1bb: {  	[sflag:s11] =	ssyncset.done $0x0  }
0x1bc: {  	[sflag:s11] =	ssyncadd.s32 $0xFFFFFF80  }
0x1bd: {  	_ =	swait.ge [sflag:s11], $0x80  }
0x1be: {  	[sflag:s11] =	ssyncset.done $0x0  }
0x1bf: {  	[sflag:s11] =	ssyncadd.s32 $0xFFFFFF80  }
0x1c0: {  	_ =	swait.ge [sflag:s11], $0x80  }
0x1c1: {  	[sflag:s11] =	ssyncset.done $0x0  }
0x1c2: {  	[sflag:s11] =	ssyncadd.s32 $0xFFFFFF80  }
0x1c3: {  	_ =	swait.ge [sflag:s11], $0x80  }
0x1c4: {  	[sflag:s11] =	ssyncset.done $0x0  }
0x1c5: {  	[sflag:s11] =	ssyncadd.s32 $0xFFFFFF80  }
0x1c6: {  	_ =	swait.ge [sflag:s11], $0x80  }
0x1c7: {  	[sflag:s11] =	ssyncset.done $0x0  }
0x1c8: {  	[sflag:s11] =	ssyncadd.s32 $0xFFFFFF80  }
0x1c9: {  	_ =	swait.ge [sflag:s11], $0x80  }
0x1ca: {  	[sflag:s11] =	ssyncset.done $0x0  }
0x1cb: {  	s12 =	sadd.s32 $0x1, s12;
	[sflag:s11] =	ssyncadd.s32 $0xFFFFFF80  }
0x1cc: {  	p0 =	sne.s32 s12, s6;
	_ =	swait.ge [sflag:s11], $0x80  }
.Ltmp1:
0x1cd: {  	[sflag:s11] =	ssyncset.done $0x0;
	(pc) =	sbr.rel @p0 .LBB2_1-.Ltmp1, $4  }
0x1ce: {  	[sflag:s11] =	ssyncadd.s32 $0xFFFFFF80  }
0x1cf: {  	_ =	swait.ge [sflag:s11], $0x80  }
0x1d0: {  	[sflag:s11] =	ssyncset.done $0x0  }
0x1d1: {  	[sflag:s11] =	ssyncadd.s32 $0xFFFFFF80  }
0x1d2: {  	_ =	sfence.sel $0x180000  }
0x1d3: {  	[bflag:$0x0] =	sbarrier.arrive $0xFFFF  }
0x1d4: {  	p0 =	sne.s32 s2, $0x0;
	_ =	strace $0x90000047  }
0x1d5: {  	s0 =	sadd.s32 @!p0 $0x100000, s0;
	[bflag:$0x2] =	sbarrier.arrive $0xFFFF  }
0x1d6: {  	[sflag:s0] =	ssyncadd.tile.s32 @!p0 $0x1;
	_ =	shalt  }
.Lfunc_end2:
_tile_overlayer_lowered:
.L_overlay_start_2:
0x1d7: {  	(tag) =	ssettag $0x2  }
0x1d8: {  	s0 =	rddreg [dreg:$0x0];
	s2 =	stileid.u32  }
0x1d9: {  	s1 =	rddreg [dreg:$0x1];
	p0 =	sne.s32 s2, $0x0  }
0x1da: {  	s3 =	rddreg [dreg:$0x2];
	[bflag:$0x3] =	sbarrier.arrive $0xFFFF;
	s2 =	simm.s32 @!p0 $0x1C02  }
0x1db: {  	[timem:s3], [sflag:s2] =	dma.local @!p0 [hbm:s0], s1  }
0x1dc: {  	s0 =	simm.s32 @!p0 $0x2  }
0x1dd: {  	_ =	swait.ge @!p0 [sflag:s0], s1  }
0x1de: {  	s1 =	ssub.s32 @!p0 $0x0, s1;
	[sflag:s0] =	ssyncset.done @!p0 $0x0  }
0x1df: {  	[sflag:s0] =	ssyncadd.s32 @!p0 s1  }
0x1e0: {  	[bflag:$0x3] =	sbarrier.arrive $0xFFFF  }
0x1e1: {  	_ =	shalt  }

</sc_bundles>
